<compile_context>
chip_gen: v7x
topology: tpu7x:2x2x1
jax: 0.10.2.dev20260603
libtpu: 0.0.44.dev20260713+nightly
codegen_flags: <defaults>
</compile_context>

<pallas_src>
import functools

import jax
import jax.numpy as jnp
from jax import lax
from jax.experimental import pallas as pl
from jax.experimental.pallas import tpu as pltpu
from jax.experimental.pallas import tpu_sc as plsc

N = 10000
E = 320000
D = 128

NC = 2
NS = 16
NW = NC * NS
BLK = 128
EB = -(-E // (NW * BLK))
EP = NW * BLK * EB
EPW = EP // NW
EPH = EP // NC
NBLK = EPH // BLK
WBLK = NBLK // NS
NBUF = 4
NGRP = WBLK // NBUF
NTL = WBLK - NGRP * NBUF
N_PAD = 10240
RPT = N_PAD // NS
HOLE = RPT
HR = 4
RB = 1024
NRB = N_PAD // RB
ZB = N_PAD // BLK
ZPT = ZB // NS

_mesh = plsc.VectorSubcoreMesh(core_axis_name="c", subcore_axis_name="s")


@functools.partial(
    pl.kernel,
    out_type=(jax.ShapeDtypeStruct((NW, N_PAD), jnp.float32),
              jax.ShapeDtypeStruct((NW, N_PAD), jnp.float32)),
    mesh=_mesh,
    compiler_params=pltpu.CompilerParams(needs_layout_passes=False),
    scratch_types=(
        pltpu.VMEM((EPW,), jnp.int32),
        pltpu.VMEM((EPW,), jnp.int32),
        pltpu.VMEM((N_PAD,), jnp.float32),
        pltpu.VMEM((N_PAD,), jnp.float32),
    ),
)
def _degrees(src_hbm, dst_hbm, zn_hbm, dego_out, degi_out,
             src_v, dst_v, ho_v, hi_v):
    c = lax.axis_index("c")
    s = lax.axis_index("s")
    wid = s * NC + c
    pltpu.sync_copy(zn_hbm, ho_v)
    pltpu.sync_copy(zn_hbm, hi_v)
    pltpu.sync_copy(src_hbm.at[pl.ds(wid * EPW, EPW)], src_v)
    pltpu.sync_copy(dst_hbm.at[pl.ds(wid * EPW, EPW)], dst_v)
    ones = jnp.full((16,), 1.0, jnp.float32)

    def body(i, carry):
        sv = src_v[pl.ds(i * 16, 16)]
        dv = dst_v[pl.ds(i * 16, 16)]
        plsc.addupdate_scatter(ho_v, [sv], ones)
        plsc.addupdate_scatter(hi_v, [dv], ones)
        return carry

    lax.fori_loop(0, EPW // 16, body, 0)
    pltpu.sync_copy(ho_v, dego_out.at[wid])
    pltpu.sync_copy(hi_v, degi_out.at[wid])


@functools.partial(
    pl.kernel,
    out_type=jax.ShapeDtypeStruct((NC * N_PAD, D), jnp.float32),
    mesh=_mesh,
    compiler_params=pltpu.CompilerParams(use_tc_tiling_on_sc=False),
    scratch_types=(
        pltpu.VMEM((WBLK, BLK), jnp.int32),
        pltpu.VMEM((WBLK, BLK), jnp.int32),
        pltpu.VMEM((ZPT, BLK), jnp.int32),
        pltpu.VMEM((BLK, D), jnp.float32),
        pltpu.VMEM((BLK, D), jnp.float32),
        pltpu.VMEM((BLK, D), jnp.float32),
        pltpu.VMEM((BLK, D), jnp.float32),
        pltpu.VMEM_SHARED((RPT, D), jnp.float32),
        pltpu.SemaphoreType.DMA,
        pltpu.SemaphoreType.DMA,
    ),
)
def _edge_agg(h_hbm, src_hbm, dst_hbm, zrows_hbm, zidx_hbm, agg_out,
              src_v, dst_v, zidx_v, buf0, buf1, buf2, buf3, acc_sp,
              gsem, gsem1):
    c = lax.axis_index("c")
    s = lax.axis_index("s")
    bufs = (buf0, buf1, buf2, buf3)
    pltpu.sync_copy(zrows_hbm, buf0)
    pltpu.sync_copy(zidx_hbm.at[pl.ds(s * ZPT, ZPT)], zidx_v)
    for k in range(ZPT):
        pltpu.sync_copy(buf0, acc_sp.at[zidx_v.at[k]])
    tile_base = c * NBLK + s * WBLK
    pltpu.sync_copy(src_hbm.at[pl.ds(tile_base, WBLK)], src_v)
    pltpu.sync_copy(dst_hbm.at[pl.ds(tile_base, WBLK)], dst_v)
    plsc.subcore_barrier()

    def blk_body(j, carry):
        pltpu.async_copy(h_hbm.at[src_v.at[j]], buf0, gsem).wait()
        pltpu.sync_copy(buf0, acc_sp.at[dst_v.at[j]], add=True)
        return carry

    lax.fori_loop(0, WBLK, blk_body, 0)
    plsc.subcore_barrier()

    for k in range(ZPT):
        pltpu.async_copy(acc_sp.at[zidx_v.at[k]], buf0, gsem).wait()
        base = c * N_PAD + (s * ZPT + k) * BLK
        pltpu.sync_copy(buf0, agg_out.at[pl.ds(base, BLK)])


def _norm_from_hist(deg_ref):
    deg = jnp.sum(deg_ref[...], axis=0)
    return lax.rsqrt(jnp.maximum(deg, 1.0))[:, None]


def _prep_body(feat_ref, dego_ref, out_ref):
    out_ref[...] = feat_ref[...] * _norm_from_hist(dego_ref)


def _dense1_body(aggp_ref, degi_ref, dego_ref, w_ref, b_ref, a_ref, out_ref):
    agg = (aggp_ref[0] + aggp_ref[1]) * _norm_from_hist(degi_ref)
    t = jnp.dot(agg, w_ref[...], preferred_element_type=jnp.float32) + b_ref[...]
    h = jnp.where(t >= 0, t, a_ref[...] * t)
    out_ref[...] = h * _norm_from_hist(dego_ref)


def _dense2_body(aggp_ref, degi_ref, w_ref, b_ref, out_ref):
    agg = (aggp_ref[0] + aggp_ref[1]) * _norm_from_hist(degi_ref)
    out_ref[...] = (jnp.dot(agg, w_ref[...], preferred_element_type=jnp.float32)
                    + b_ref[...])


_row_spec = pl.BlockSpec((RB, D), lambda i: (i, 0))
_deg_spec = pl.BlockSpec((NW, RB), lambda i: (0, i))
_agg_spec = pl.BlockSpec((NC, RB, D), lambda i: (0, i, 0))
_w_spec = pl.BlockSpec((D, D), lambda i: (0, 0))
_v_spec = pl.BlockSpec((D,), lambda i: (0,))
_out_sds = jax.ShapeDtypeStruct((N_PAD, D), jnp.float32)
_grid = (NRB,)

_prep = pl.pallas_call(
    _prep_body, grid=_grid,
    in_specs=[_row_spec, _deg_spec],
    out_specs=_row_spec, out_shape=_out_sds)

_dense1 = pl.pallas_call(
    _dense1_body, grid=_grid,
    in_specs=[_agg_spec, _deg_spec, _deg_spec, _w_spec, _v_spec, _v_spec],
    out_specs=_row_spec, out_shape=_out_sds)

_dense2 = pl.pallas_call(
    _dense2_body, grid=_grid,
    in_specs=[_agg_spec, _deg_spec, _w_spec, _v_spec],
    out_specs=_row_spec, out_shape=_out_sds)


def kernel(feat, edge_index, W1, b1, a1, W2, b2):
    src = edge_index[0]
    dst = edge_index[1]
    pad = EP - E
    srcp = jnp.concatenate([src, jnp.full((pad,), N, jnp.int32)])
    dstp = jnp.concatenate([dst, jnp.full((pad,), N, jnp.int32)])
    srcp = srcp + HR * (srcp >= HOLE).astype(jnp.int32)
    dstp = dstp + HR * (dstp >= HOLE).astype(jnp.int32)
    srcb = srcp.reshape(NC * NBLK, BLK)
    dstb = dstp.reshape(NC * NBLK, BLK)
    feat_pad = jnp.concatenate(
        [feat[:HOLE], jnp.zeros((HR, D), feat.dtype), feat[HOLE:],
         jnp.zeros((N_PAD - N - HR, D), feat.dtype)], axis=0)
    zeros_n = jnp.zeros((N_PAD,), jnp.float32)
    zrows = jnp.zeros((BLK, D), jnp.float32)
    zidx = jnp.arange(N_PAD, dtype=jnp.int32).reshape(ZB, BLK)

    dego, degi = _degrees(srcp, dstp, zeros_n)

    h1 = _prep(feat_pad, dego)
    agg1 = _edge_agg(h1, srcb, dstb, zrows, zidx).reshape(NC, N_PAD, D)
    h2 = _dense1(agg1, degi, dego, W1, b1, a1)
    agg2 = _edge_agg(h2, srcb, dstb, zrows, zidx).reshape(NC, N_PAD, D)
    out = _dense2(agg2, degi, W2, b2)
    return jnp.concatenate([out[:HOLE], out[HOLE + HR:N + HR]], axis=0)

# --- scband reference (transcript-rebuilt; emitter-appended) ---
"""Pipeline reference for scband-gcnencoder-5634997092465 (READ-ONLY COPY).

The authoritative reference and input builder live on the scoring server;
editing this copy changes nothing except your own understanding.
"""

import jax, jax.numpy as jnp
import numpy as np

N = 10000
E = 320000
D = 128


def setup_inputs(seed: int = 0) -> dict:
    key = jax.random.key(seed)
    ks = jax.random.split(key, 6)
    feat = jax.random.normal(ks[0], (N, D), dtype=jnp.float32)
    edge_index = jax.random.randint(ks[1], (2, E), 0, N, dtype=jnp.int32)
    scale = 1.0 / np.sqrt(D)
    W1 = jax.random.normal(ks[2], (D, D), dtype=jnp.float32) * scale
    b1 = jnp.zeros((D,), dtype=jnp.float32)
    a1 = jnp.full((D,), 0.25, dtype=jnp.float32)  # PReLU weight
    W2 = jax.random.normal(ks[3], (D, D), dtype=jnp.float32) * scale
    b2 = jnp.zeros((D,), dtype=jnp.float32)
    return {"feat": feat, "edge_index": edge_index, "W1": W1, "b1": b1,
            "a1": a1, "W2": W2, "b2": b2}


def _gcn_conv(feat, src, dst, W, b):
    # DGL GraphConv with norm='both':
    # h_i = b + sum_{j in N(i)} (1/sqrt(d_out(j) * d_in(i))) * h_j @ W
    n = feat.shape[0]
    ones = jnp.ones((src.shape[0],), dtype=feat.dtype)
    deg_out = jax.ops.segment_sum(ones, src, num_segments=n)
    deg_in = jax.ops.segment_sum(ones, dst, num_segments=n)
    norm_src = jax.lax.rsqrt(jnp.maximum(deg_out, 1.0))  # clamp(deg, 1)
    norm_dst = jax.lax.rsqrt(jnp.maximum(deg_in, 1.0))
    h = feat * norm_src[:, None]
    msgs = jnp.take(h, src, axis=0)                      # gather over edges
    agg = jax.ops.segment_sum(msgs, dst, num_segments=n)  # scatter-add
    agg = agg * norm_dst[:, None]
    return agg @ W + b


def _prelu(x, a):
    return jnp.where(x >= 0, x, a * x)


def reference(feat, edge_index, W1, b1, a1, W2, b2):
    # n_layers=2 -> input_layer (PReLU) + output_layer (no activation).
    # Dropout p=0.0 (eval semantics) -> identity. corrupt=False.
    src = edge_index[0]
    dst = edge_index[1]
    h = _prelu(_gcn_conv(feat, src, dst, W1, b1), a1)
    out = _gcn_conv(h, src, dst, W2, b2)
    return out

if __name__ == "__main__":
    import jax
    _d = setup_inputs()
    print(jax.jit(kernel)(*tuple(_d.values())))

</pallas_src>

<mosaic_0001>
#map = affine_map<(d0, d1) -> (0)>
#map1 = affine_map<(d0, d1) -> (0, 0)>
module attributes {stable_mosaic.version = 14 : i64} {
  func.func @_degrees(%arg0: i32, %arg1: i32, %arg2: memref<323584xi32, #tpu.memory_space<hbm>>, %arg3: memref<323584xi32, #tpu.memory_space<hbm>>, %arg4: memref<10240xf32, #tpu.memory_space<hbm>>, %arg5: memref<32x10240xf32, #tpu.memory_space<hbm>>, %arg6: memref<32x10240xf32, #tpu.memory_space<hbm>>, %arg7: memref<10112xi32, #tpu.memory_space<vmem>>, %arg8: memref<10112xi32, #tpu.memory_space<vmem>>, %arg9: memref<10240xf32, #tpu.memory_space<vmem>>, %arg10: memref<10240xf32, #tpu.memory_space<vmem>>) attributes {dimension_semantics = [#tpu.dimension_semantics<core_parallel>, #tpu.dimension_semantics<subcore_parallel>], iteration_bounds = array<i64: 2, 16>, scalar_prefetch = 0 : i64, scratch_operands = 4 : i64, tpu.core_type = #tpu.core_type<sc_vector_subcore>, window_params = [{transform_indices = #map}, {transform_indices = #map}, {transform_indices = #map}, {transform_indices = #map1}, {transform_indices = #map1}]} {
    %mul3A = arith.constant 2 : i32
    %mul3A_0 = arith.muli %arg1, %mul3A : i32
    %add3A = arith.addi %mul3A_0, %arg0 : i32
    "tpu.region"() ({
      %run_scoped3A = tpu.sem_alloc : memref<!tpu.dma_semaphore, #tpu.memory_space<semaphore_mem>>
      tpu.enqueue_dma source(%arg4 : memref<10240xf32, #tpu.memory_space<hbm>>) target(%arg9 : memref<10240xf32, #tpu.memory_space<vmem>>) target_semaphore(%run_scoped3A : memref<!tpu.dma_semaphore, #tpu.memory_space<semaphore_mem>>)
      tpu.wait_dma2 semaphore(%run_scoped3A : memref<!tpu.dma_semaphore, #tpu.memory_space<semaphore_mem>>) src(%arg4 : memref<10240xf32, #tpu.memory_space<hbm>>) dst(%arg9 : memref<10240xf32, #tpu.memory_space<vmem>>)
      tpu.yield
    }) : () -> ()
    "tpu.region"() ({
      %run_scoped3A = tpu.sem_alloc : memref<!tpu.dma_semaphore, #tpu.memory_space<semaphore_mem>>
      tpu.enqueue_dma source(%arg4 : memref<10240xf32, #tpu.memory_space<hbm>>) target(%arg10 : memref<10240xf32, #tpu.memory_space<vmem>>) target_semaphore(%run_scoped3A : memref<!tpu.dma_semaphore, #tpu.memory_space<semaphore_mem>>)
      tpu.wait_dma2 semaphore(%run_scoped3A : memref<!tpu.dma_semaphore, #tpu.memory_space<semaphore_mem>>) src(%arg4 : memref<10240xf32, #tpu.memory_space<hbm>>) dst(%arg10 : memref<10240xf32, #tpu.memory_space<vmem>>)
      tpu.yield
    }) : () -> ()
    %mul3A_1 = arith.constant 10112 : i32
    %mul3A_2 = arith.muli %add3A, %mul3A_1 : i32
    "tpu.region"() ({
      %run_scoped3A = tpu.sem_alloc : memref<!tpu.dma_semaphore, #tpu.memory_space<semaphore_mem>>
      %dma_start3A = tpu.memref_slice %arg2[%mul3A_2] : memref<323584xi32, #tpu.memory_space<hbm>> -> memref<10112xi32, #tpu.memory_space<hbm>>
      %dma_start3A_11 = tpu.memref_slice %arg2[%mul3A_2] : memref<323584xi32, #tpu.memory_space<hbm>> -> memref<10112xi32, #tpu.memory_space<hbm>>
      tpu.enqueue_dma source(%dma_start3A_11 : memref<10112xi32, #tpu.memory_space<hbm>>) target(%arg7 : memref<10112xi32, #tpu.memory_space<vmem>>) target_semaphore(%run_scoped3A : memref<!tpu.dma_semaphore, #tpu.memory_space<semaphore_mem>>)
      %dma_wait3A = tpu.memref_slice %arg2[%mul3A_2] : memref<323584xi32, #tpu.memory_space<hbm>> -> memref<10112xi32, #tpu.memory_space<hbm>>
      %dma_wait3A_12 = tpu.memref_slice %arg2[%mul3A_2] : memref<323584xi32, #tpu.memory_space<hbm>> -> memref<10112xi32, #tpu.memory_space<hbm>>
      tpu.wait_dma2 semaphore(%run_scoped3A : memref<!tpu.dma_semaphore, #tpu.memory_space<semaphore_mem>>) src(%dma_wait3A_12 : memref<10112xi32, #tpu.memory_space<hbm>>) dst(%arg7 : memref<10112xi32, #tpu.memory_space<vmem>>)
      tpu.yield
    }) : () -> ()
    %mul3A_3 = arith.constant 10112 : i32
    %mul3A_4 = arith.muli %add3A, %mul3A_3 : i32
    "tpu.region"() ({
      %run_scoped3A = tpu.sem_alloc : memref<!tpu.dma_semaphore, #tpu.memory_space<semaphore_mem>>
      %dma_start3A = tpu.memref_slice %arg3[%mul3A_4] : memref<323584xi32, #tpu.memory_space<hbm>> -> memref<10112xi32, #tpu.memory_space<hbm>>
      %dma_start3A_11 = tpu.memref_slice %arg3[%mul3A_4] : memref<323584xi32, #tpu.memory_space<hbm>> -> memref<10112xi32, #tpu.memory_space<hbm>>
      tpu.enqueue_dma source(%dma_start3A_11 : memref<10112xi32, #tpu.memory_space<hbm>>) target(%arg8 : memref<10112xi32, #tpu.memory_space<vmem>>) target_semaphore(%run_scoped3A : memref<!tpu.dma_semaphore, #tpu.memory_space<semaphore_mem>>)
      %dma_wait3A = tpu.memref_slice %arg3[%mul3A_4] : memref<323584xi32, #tpu.memory_space<hbm>> -> memref<10112xi32, #tpu.memory_space<hbm>>
      %dma_wait3A_12 = tpu.memref_slice %arg3[%mul3A_4] : memref<323584xi32, #tpu.memory_space<hbm>> -> memref<10112xi32, #tpu.memory_space<hbm>>
      tpu.wait_dma2 semaphore(%run_scoped3A : memref<!tpu.dma_semaphore, #tpu.memory_space<semaphore_mem>>) src(%dma_wait3A_12 : memref<10112xi32, #tpu.memory_space<hbm>>) dst(%arg8 : memref<10112xi32, #tpu.memory_space<vmem>>)
      tpu.yield
    }) : () -> ()
    %broadcast_in_dim3A = arith.constant 1.000000e+00 : f32
    %broadcast_in_dim3A_5 = vector.broadcast %broadcast_in_dim3A : f32 to vector<16xf32>
    %scan3A = arith.constant 0 : i32
    %scan3A_6 = arith.constant 0 : i32
    %scan3A_7 = arith.constant 632 : i32
    %scan3A_8 = arith.addi %scan3A_6, %scan3A_7 : i32
    %scan3A_9 = arith.constant 1 : i32
    scf.for %scan3A_11 = %scan3A_6 to %scan3A_8 step %scan3A_9  : i32 {
      %mul3A_12 = arith.constant 16 : i32
      %mul3A_13 = arith.muli %scan3A_11, %mul3A_12 : i32
      %get3A = arith.index_cast %mul3A_13 : i32 to index
      %get3A_14 = tpu.vector_load %arg7[%get3A] {strides = array<i32>} : memref<10112xi32, #tpu.memory_space<vmem>>, vector<16xi32>,
      %mul3A_15 = arith.constant 16 : i32
      %mul3A_16 = arith.muli %scan3A_11, %mul3A_15 : i32
      %get3A_17 = arith.index_cast %mul3A_16 : i32 to index
      %get3A_18 = tpu.vector_load %arg8[%get3A_17] {strides = array<i32>} : memref<10112xi32, #tpu.memory_space<vmem>>, vector<16xi32>,
      tpu.vector_store_idx %arg9[%get3A_14], %broadcast_in_dim3A_5 {add = true} : memref<10240xf32, #tpu.memory_space<vmem>>[vector<16xi32>], vector<16xf32>,
      tpu.vector_store_idx %arg10[%get3A_18], %broadcast_in_dim3A_5 {add = true} : memref<10240xf32, #tpu.memory_space<vmem>>[vector<16xi32>], vector<16xf32>,
    }
    %scan3A_10 = arith.constant 632 : i32
    "tpu.region"() ({
      %run_scoped3A = tpu.sem_alloc : memref<!tpu.dma_semaphore, #tpu.memory_space<semaphore_mem>>
      %dma_start3A = arith.constant 0 : i32
      %dma_start3A_11 = tpu.memref_slice %arg5[%add3A, %dma_start3A] : memref<32x10240xf32, #tpu.memory_space<hbm>> -> memref<1x10240xf32, #tpu.memory_space<hbm>>
      %dma_start3A_12 = tpu.memref_squeeze %dma_start3A_11 : memref<1x10240xf32, #tpu.memory_space<hbm>> -> memref<10240xf32, #tpu.memory_space<hbm>>
      %dma_start3A_13 = arith.constant 0 : i32
      %dma_start3A_14 = tpu.memref_slice %arg5[%add3A, %dma_start3A_13] : memref<32x10240xf32, #tpu.memory_space<hbm>> -> memref<1x10240xf32, #tpu.memory_space<hbm>>
      %dma_start3A_15 = tpu.memref_squeeze %dma_start3A_14 : memref<1x10240xf32, #tpu.memory_space<hbm>> -> memref<10240xf32, #tpu.memory_space<hbm>>
      tpu.enqueue_dma source(%arg9 : memref<10240xf32, #tpu.memory_space<vmem>>) target(%dma_start3A_15 : memref<10240xf32, #tpu.memory_space<hbm>>) target_semaphore(%run_scoped3A : memref<!tpu.dma_semaphore, #tpu.memory_space<semaphore_mem>>)
      %dma_wait3A = arith.constant 0 : i32
      %dma_wait3A_16 = tpu.memref_slice %arg5[%add3A, %dma_wait3A] : memref<32x10240xf32, #tpu.memory_space<hbm>> -> memref<1x10240xf32, #tpu.memory_space<hbm>>
      %dma_wait3A_17 = tpu.memref_squeeze %dma_wait3A_16 : memref<1x10240xf32, #tpu.memory_space<hbm>> -> memref<10240xf32, #tpu.memory_space<hbm>>
      %dma_wait3A_18 = arith.constant 0 : i32
      %dma_wait3A_19 = tpu.memref_slice %arg5[%add3A, %dma_wait3A_18] : memref<32x10240xf32, #tpu.memory_space<hbm>> -> memref<1x10240xf32, #tpu.memory_space<hbm>>
      %dma_wait3A_20 = tpu.memref_squeeze %dma_wait3A_19 : memref<1x10240xf32, #tpu.memory_space<hbm>> -> memref<10240xf32, #tpu.memory_space<hbm>>
      tpu.wait_dma2 semaphore(%run_scoped3A : memref<!tpu.dma_semaphore, #tpu.memory_space<semaphore_mem>>) src(%arg9 : memref<10240xf32, #tpu.memory_space<vmem>>) dst(%dma_wait3A_20 : memref<10240xf32, #tpu.memory_space<hbm>>)
      tpu.yield
    }) : () -> ()
    "tpu.region"() ({
      %run_scoped3A = tpu.sem_alloc : memref<!tpu.dma_semaphore, #tpu.memory_space<semaphore_mem>>
      %dma_start3A = arith.constant 0 : i32
      %dma_start3A_11 = tpu.memref_slice %arg6[%add3A, %dma_start3A] : memref<32x10240xf32, #tpu.memory_space<hbm>> -> memref<1x10240xf32, #tpu.memory_space<hbm>>
      %dma_start3A_12 = tpu.memref_squeeze %dma_start3A_11 : memref<1x10240xf32, #tpu.memory_space<hbm>> -> memref<10240xf32, #tpu.memory_space<hbm>>
      %dma_start3A_13 = arith.constant 0 : i32
      %dma_start3A_14 = tpu.memref_slice %arg6[%add3A, %dma_start3A_13] : memref<32x10240xf32, #tpu.memory_space<hbm>> -> memref<1x10240xf32, #tpu.memory_space<hbm>>
      %dma_start3A_15 = tpu.memref_squeeze %dma_start3A_14 : memref<1x10240xf32, #tpu.memory_space<hbm>> -> memref<10240xf32, #tpu.memory_space<hbm>>
      tpu.enqueue_dma source(%arg10 : memref<10240xf32, #tpu.memory_space<vmem>>) target(%dma_start3A_15 : memref<10240xf32, #tpu.memory_space<hbm>>) target_semaphore(%run_scoped3A : memref<!tpu.dma_semaphore, #tpu.memory_space<semaphore_mem>>)
      %dma_wait3A = arith.constant 0 : i32
      %dma_wait3A_16 = tpu.memref_slice %arg6[%add3A, %dma_wait3A] : memref<32x10240xf32, #tpu.memory_space<hbm>> -> memref<1x10240xf32, #tpu.memory_space<hbm>>
      %dma_wait3A_17 = tpu.memref_squeeze %dma_wait3A_16 : memref<1x10240xf32, #tpu.memory_space<hbm>> -> memref<10240xf32, #tpu.memory_space<hbm>>
      %dma_wait3A_18 = arith.constant 0 : i32
      %dma_wait3A_19 = tpu.memref_slice %arg6[%add3A, %dma_wait3A_18] : memref<32x10240xf32, #tpu.memory_space<hbm>> -> memref<1x10240xf32, #tpu.memory_space<hbm>>
      %dma_wait3A_20 = tpu.memref_squeeze %dma_wait3A_19 : memref<1x10240xf32, #tpu.memory_space<hbm>> -> memref<10240xf32, #tpu.memory_space<hbm>>
      tpu.wait_dma2 semaphore(%run_scoped3A : memref<!tpu.dma_semaphore, #tpu.memory_space<semaphore_mem>>) src(%arg10 : memref<10240xf32, #tpu.memory_space<vmem>>) dst(%dma_wait3A_20 : memref<10240xf32, #tpu.memory_space<hbm>>)
      tpu.yield
    }) : () -> ()
    return
  }
}

#map = affine_map<(d0, d1) -> (0, 0)>
module attributes {stable_mosaic.version = 14 : i64} {
  func.func @_edge_agg(%arg0: i32, %arg1: i32, %arg2: memref<10240x128xf32, #tpu.memory_space<hbm>>, %arg3: memref<2528x128xi32, #tpu.memory_space<hbm>>, %arg4: memref<2528x128xi32, #tpu.memory_space<hbm>>, %arg5: memref<128x128xf32, #tpu.memory_space<hbm>>, %arg6: memref<80x128xi32, #tpu.memory_space<hbm>>, %arg7: memref<20480x128xf32, #tpu.memory_space<hbm>>, %arg8: memref<79x128xi32, #tpu.memory_space<vmem>>, %arg9: memref<79x128xi32, #tpu.memory_space<vmem>>, %arg10: memref<5x128xi32, #tpu.memory_space<vmem>>, %arg11: memref<128x128xf32, #tpu.memory_space<vmem>>, %arg12: memref<128x128xf32, #tpu.memory_space<vmem>>, %arg13: memref<128x128xf32, #tpu.memory_space<vmem>>, %arg14: memref<128x128xf32, #tpu.memory_space<vmem>>, %arg15: memref<640x128xf32, #tpu.memory_space<vmem_shared>>, %arg16: memref<!tpu.dma_semaphore, #tpu.memory_space<semaphore_mem>>, %arg17: memref<!tpu.dma_semaphore, #tpu.memory_space<semaphore_mem>>) attributes {dimension_semantics = [#tpu.dimension_semantics<core_parallel>, #tpu.dimension_semantics<subcore_parallel>], iteration_bounds = array<i64: 2, 16>, scalar_prefetch = 0 : i64, scratch_operands = 10 : i64, tpu.core_type = #tpu.core_type<sc_vector_subcore>, window_params = [{transform_indices = #map}, {transform_indices = #map}, {transform_indices = #map}, {transform_indices = #map}, {transform_indices = #map}, {transform_indices = #map}]} {
    "tpu.region"() ({
      %run_scoped3A_128 = tpu.sem_alloc : memref<!tpu.dma_semaphore, #tpu.memory_space<semaphore_mem>>
      tpu.enqueue_dma source(%arg5 : memref<128x128xf32, #tpu.memory_space<hbm>>) target(%arg11 : memref<128x128xf32, #tpu.memory_space<vmem>>) target_semaphore(%run_scoped3A_128 : memref<!tpu.dma_semaphore, #tpu.memory_space<semaphore_mem>>)
      tpu.wait_dma2 semaphore(%run_scoped3A_128 : memref<!tpu.dma_semaphore, #tpu.memory_space<semaphore_mem>>) src(%arg5 : memref<128x128xf32, #tpu.memory_space<hbm>>) dst(%arg11 : memref<128x128xf32, #tpu.memory_space<vmem>>)
      tpu.yield
    }) : () -> ()
    %mul3A = arith.constant 5 : i32
    %mul3A_0 = arith.muli %arg1, %mul3A : i32
    "tpu.region"() ({
      %run_scoped3A_128 = tpu.sem_alloc : memref<!tpu.dma_semaphore, #tpu.memory_space<semaphore_mem>>
      %dma_start3A_129 = arith.constant 0 : i32
      %dma_start3A_130 = tpu.memref_slice %arg6[%mul3A_0, %dma_start3A_129] : memref<80x128xi32, #tpu.memory_space<hbm>> -> memref<5x128xi32, #tpu.memory_space<hbm>>
      %dma_start3A_131 = arith.constant 0 : i32
      %dma_start3A_132 = tpu.memref_slice %arg6[%mul3A_0, %dma_start3A_131] : memref<80x128xi32, #tpu.memory_space<hbm>> -> memref<5x128xi32, #tpu.memory_space<hbm>>
      tpu.enqueue_dma source(%dma_start3A_132 : memref<5x128xi32, #tpu.memory_space<hbm>>) target(%arg10 : memref<5x128xi32, #tpu.memory_space<vmem>>) target_semaphore(%run_scoped3A_128 : memref<!tpu.dma_semaphore, #tpu.memory_space<semaphore_mem>>)
      %dma_wait3A_133 = arith.constant 0 : i32
      %dma_wait3A_134 = tpu.memref_slice %arg6[%mul3A_0, %dma_wait3A_133] : memref<80x128xi32, #tpu.memory_space<hbm>> -> memref<5x128xi32, #tpu.memory_space<hbm>>
      %dma_wait3A_135 = arith.constant 0 : i32
      %dma_wait3A_136 = tpu.memref_slice %arg6[%mul3A_0, %dma_wait3A_135] : memref<80x128xi32, #tpu.memory_space<hbm>> -> memref<5x128xi32, #tpu.memory_space<hbm>>
      tpu.wait_dma2 semaphore(%run_scoped3A_128 : memref<!tpu.dma_semaphore, #tpu.memory_space<semaphore_mem>>) src(%dma_wait3A_136 : memref<5x128xi32, #tpu.memory_space<hbm>>) dst(%arg10 : memref<5x128xi32, #tpu.memory_space<vmem>>)
      tpu.yield
    }) : () -> ()
    %run_scoped3A = arith.constant 0 : i32
    "tpu.region"() ({
      %run_scoped3A_128 = tpu.sem_alloc : memref<!tpu.dma_semaphore, #tpu.memory_space<semaphore_mem>>
      %dma_start3A_129 = arith.constant 0 : i32
      %dma_start3A_130 = tpu.memref_slice %arg10[%run_scoped3A, %dma_start3A_129] : memref<5x128xi32, #tpu.memory_space<vmem>> -> memref<1x128xi32, #tpu.memory_space<vmem>>
      %dma_start3A_131 = tpu.memref_squeeze %dma_start3A_130 : memref<1x128xi32, #tpu.memory_space<vmem>> -> memref<128xi32, #tpu.memory_space<vmem>>
      %dma_start3A_132 = arith.constant 0 : i32
      %dma_start3A_133 = arith.constant 0 : i32
      %dma_start3A_134 = tpu.memref_slice %arg15[%dma_start3A_132, %dma_start3A_133] : memref<640x128xf32, #tpu.memory_space<vmem_shared>> -> memref<640x128xf32, #tpu.memory_space<vmem_shared>>
      tpu.enqueue_indirect_dma source(%arg11 : memref<128x128xf32, #tpu.memory_space<vmem>>) target(%dma_start3A_134 : memref<640x128xf32, #tpu.memory_space<vmem_shared>>) offsets(%dma_start3A_131 : memref<128xi32, #tpu.memory_space<vmem>>) semaphore(%run_scoped3A_128 : memref<!tpu.dma_semaphore, #tpu.memory_space<semaphore_mem>>)
      %dma_wait3A_135 = arith.constant 0 : i32
      %dma_wait3A_136 = tpu.memref_slice %arg10[%run_scoped3A, %dma_wait3A_135] : memref<5x128xi32, #tpu.memory_space<vmem>> -> memref<1x128xi32, #tpu.memory_space<vmem>>
      %dma_wait3A_137 = tpu.memref_squeeze %dma_wait3A_136 : memref<1x128xi32, #tpu.memory_space<vmem>> -> memref<128xi32, #tpu.memory_space<vmem>>
      %dma_wait3A_138 = arith.constant 0 : i32
      %dma_wait3A_139 = arith.constant 0 : i32
      %dma_wait3A_140 = tpu.memref_slice %arg15[%dma_wait3A_138, %dma_wait3A_139] : memref<640x128xf32, #tpu.memory_space<vmem_shared>> -> memref<640x128xf32, #tpu.memory_space<vmem_shared>>
      tpu.wait_indirect_dma semaphore(%run_scoped3A_128 : memref<!tpu.dma_semaphore, #tpu.memory_space<semaphore_mem>>) src(%arg11 : memref<128x128xf32, #tpu.memory_space<vmem>>) dst(%dma_wait3A_140 : memref<640x128xf32, #tpu.memory_space<vmem_shared>>)
      tpu.yield
    }) : () -> ()
    %run_scoped3A_1 = arith.constant 1 : i32
    "tpu.region"() ({
      %run_scoped3A_128 = tpu.sem_alloc : memref<!tpu.dma_semaphore, #tpu.memory_space<semaphore_mem>>
      %dma_start3A_129 = arith.constant 0 : i32
      %dma_start3A_130 = tpu.memref_slice %arg10[%run_scoped3A_1, %dma_start3A_129] : memref<5x128xi32, #tpu.memory_space<vmem>> -> memref<1x128xi32, #tpu.memory_space<vmem>>
      %dma_start3A_131 = tpu.memref_squeeze %dma_start3A_130 : memref<1x128xi32, #tpu.memory_space<vmem>> -> memref<128xi32, #tpu.memory_space<vmem>>
      %dma_start3A_132 = arith.constant 0 : i32
      %dma_start3A_133 = arith.constant 0 : i32
      %dma_start3A_134 = tpu.memref_slice %arg15[%dma_start3A_132, %dma_start3A_133] : memref<640x128xf32, #tpu.memory_space<vmem_shared>> -> memref<640x128xf32, #tpu.memory_space<vmem_shared>>
      tpu.enqueue_indirect_dma source(%arg11 : memref<128x128xf32, #tpu.memory_space<vmem>>) target(%dma_start3A_134 : memref<640x128xf32, #tpu.memory_space<vmem_shared>>) offsets(%dma_start3A_131 : memref<128xi32, #tpu.memory_space<vmem>>) semaphore(%run_scoped3A_128 : memref<!tpu.dma_semaphore, #tpu.memory_space<semaphore_mem>>)
      %dma_wait3A_135 = arith.constant 0 : i32
      %dma_wait3A_136 = tpu.memref_slice %arg10[%run_scoped3A_1, %dma_wait3A_135] : memref<5x128xi32, #tpu.memory_space<vmem>> -> memref<1x128xi32, #tpu.memory_space<vmem>>
      %dma_wait3A_137 = tpu.memref_squeeze %dma_wait3A_136 : memref<1x128xi32, #tpu.memory_space<vmem>> -> memref<128xi32, #tpu.memory_space<vmem>>
      %dma_wait3A_138 = arith.constant 0 : i32
      %dma_wait3A_139 = arith.constant 0 : i32
      %dma_wait3A_140 = tpu.memref_slice %arg15[%dma_wait3A_138, %dma_wait3A_139] : memref<640x128xf32, #tpu.memory_space<vmem_shared>> -> memref<640x128xf32, #tpu.memory_space<vmem_shared>>
      tpu.wait_indirect_dma semaphore(%run_scoped3A_128 : memref<!tpu.dma_semaphore, #tpu.memory_space<semaphore_mem>>) src(%arg11 : memref<128x128xf32, #tpu.memory_space<vmem>>) dst(%dma_wait3A_140 : memref<640x128xf32, #tpu.memory_space<vmem_shared>>)
      tpu.yield
    }) : () -> ()
    %run_scoped3A_2 = arith.constant 2 : i32
    "tpu.region"() ({
      %run_scoped3A_128 = tpu.sem_alloc : memref<!tpu.dma_semaphore, #tpu.memory_space<semaphore_mem>>
      %dma_start3A_129 = arith.constant 0 : i32
      %dma_start3A_130 = tpu.memref_slice %arg10[%run_scoped3A_2, %dma_start3A_129] : memref<5x128xi32, #tpu.memory_space<vmem>> -> memref<1x128xi32, #tpu.memory_space<vmem>>
      %dma_start3A_131 = tpu.memref_squeeze %dma_start3A_130 : memref<1x128xi32, #tpu.memory_space<vmem>> -> memref<128xi32, #tpu.memory_space<vmem>>
      %dma_start3A_132 = arith.constant 0 : i32
      %dma_start3A_133 = arith.constant 0 : i32
      %dma_start3A_134 = tpu.memref_slice %arg15[%dma_start3A_132, %dma_start3A_133] : memref<640x128xf32, #tpu.memory_space<vmem_shared>> -> memref<640x128xf32, #tpu.memory_space<vmem_shared>>
      tpu.enqueue_indirect_dma source(%arg11 : memref<128x128xf32, #tpu.memory_space<vmem>>) target(%dma_start3A_134 : memref<640x128xf32, #tpu.memory_space<vmem_shared>>) offsets(%dma_start3A_131 : memref<128xi32, #tpu.memory_space<vmem>>) semaphore(%run_scoped3A_128 : memref<!tpu.dma_semaphore, #tpu.memory_space<semaphore_mem>>)
      %dma_wait3A_135 = arith.constant 0 : i32
      %dma_wait3A_136 = tpu.memref_slice %arg10[%run_scoped3A_2, %dma_wait3A_135] : memref<5x128xi32, #tpu.memory_space<vmem>> -> memref<1x128xi32, #tpu.memory_space<vmem>>
      %dma_wait3A_137 = tpu.memref_squeeze %dma_wait3A_136 : memref<1x128xi32, #tpu.memory_space<vmem>> -> memref<128xi32, #tpu.memory_space<vmem>>
      %dma_wait3A_138 = arith.constant 0 : i32
      %dma_wait3A_139 = arith.constant 0 : i32
      %dma_wait3A_140 = tpu.memref_slice %arg15[%dma_wait3A_138, %dma_wait3A_139] : memref<640x128xf32, #tpu.memory_space<vmem_shared>> -> memref<640x128xf32, #tpu.memory_space<vmem_shared>>
      tpu.wait_indirect_dma semaphore(%run_scoped3A_128 : memref<!tpu.dma_semaphore, #tpu.memory_space<semaphore_mem>>) src(%arg11 : memref<128x128xf32, #tpu.memory_space<vmem>>) dst(%dma_wait3A_140 : memref<640x128xf32, #tpu.memory_space<vmem_shared>>)
      tpu.yield
    }) : () -> ()
    %run_scoped3A_3 = arith.constant 3 : i32
    "tpu.region"() ({
      %run_scoped3A_128 = tpu.sem_alloc : memref<!tpu.dma_semaphore, #tpu.memory_space<semaphore_mem>>
      %dma_start3A_129 = arith.constant 0 : i32
      %dma_start3A_130 = tpu.memref_slice %arg10[%run_scoped3A_3, %dma_start3A_129] : memref<5x128xi32, #tpu.memory_space<vmem>> -> memref<1x128xi32, #tpu.memory_space<vmem>>
      %dma_start3A_131 = tpu.memref_squeeze %dma_start3A_130 : memref<1x128xi32, #tpu.memory_space<vmem>> -> memref<128xi32, #tpu.memory_space<vmem>>
      %dma_start3A_132 = arith.constant 0 : i32
      %dma_start3A_133 = arith.constant 0 : i32
      %dma_start3A_134 = tpu.memref_slice %arg15[%dma_start3A_132, %dma_start3A_133] : memref<640x128xf32, #tpu.memory_space<vmem_shared>> -> memref<640x128xf32, #tpu.memory_space<vmem_shared>>
      tpu.enqueue_indirect_dma source(%arg11 : memref<128x128xf32, #tpu.memory_space<vmem>>) target(%dma_start3A_134 : memref<640x128xf32, #tpu.memory_space<vmem_shared>>) offsets(%dma_start3A_131 : memref<128xi32, #tpu.memory_space<vmem>>) semaphore(%run_scoped3A_128 : memref<!tpu.dma_semaphore, #tpu.memory_space<semaphore_mem>>)
      %dma_wait3A_135 = arith.constant 0 : i32
      %dma_wait3A_136 = tpu.memref_slice %arg10[%run_scoped3A_3, %dma_wait3A_135] : memref<5x128xi32, #tpu.memory_space<vmem>> -> memref<1x128xi32, #tpu.memory_space<vmem>>
      %dma_wait3A_137 = tpu.memref_squeeze %dma_wait3A_136 : memref<1x128xi32, #tpu.memory_space<vmem>> -> memref<128xi32, #tpu.memory_space<vmem>>
      %dma_wait3A_138 = arith.constant 0 : i32
      %dma_wait3A_139 = arith.constant 0 : i32
      %dma_wait3A_140 = tpu.memref_slice %arg15[%dma_wait3A_138, %dma_wait3A_139] : memref<640x128xf32, #tpu.memory_space<vmem_shared>> -> memref<640x128xf32, #tpu.memory_space<vmem_shared>>
      tpu.wait_indirect_dma semaphore(%run_scoped3A_128 : memref<!tpu.dma_semaphore, #tpu.memory_space<semaphore_mem>>) src(%arg11 : memref<128x128xf32, #tpu.memory_space<vmem>>) dst(%dma_wait3A_140 : memref<640x128xf32, #tpu.memory_space<vmem_shared>>)
      tpu.yield
    }) : () -> ()
    %run_scoped3A_4 = arith.constant 4 : i32
    "tpu.region"() ({
      %run_scoped3A_128 = tpu.sem_alloc : memref<!tpu.dma_semaphore, #tpu.memory_space<semaphore_mem>>
      %dma_start3A_129 = arith.constant 0 : i32
      %dma_start3A_130 = tpu.memref_slice %arg10[%run_scoped3A_4, %dma_start3A_129] : memref<5x128xi32, #tpu.memory_space<vmem>> -> memref<1x128xi32, #tpu.memory_space<vmem>>
      %dma_start3A_131 = tpu.memref_squeeze %dma_start3A_130 : memref<1x128xi32, #tpu.memory_space<vmem>> -> memref<128xi32, #tpu.memory_space<vmem>>
      %dma_start3A_132 = arith.constant 0 : i32
      %dma_start3A_133 = arith.constant 0 : i32
      %dma_start3A_134 = tpu.memref_slice %arg15[%dma_start3A_132, %dma_start3A_133] : memref<640x128xf32, #tpu.memory_space<vmem_shared>> -> memref<640x128xf32, #tpu.memory_space<vmem_shared>>
      tpu.enqueue_indirect_dma source(%arg11 : memref<128x128xf32, #tpu.memory_space<vmem>>) target(%dma_start3A_134 : memref<640x128xf32, #tpu.memory_space<vmem_shared>>) offsets(%dma_start3A_131 : memref<128xi32, #tpu.memory_space<vmem>>) semaphore(%run_scoped3A_128 : memref<!tpu.dma_semaphore, #tpu.memory_space<semaphore_mem>>)
      %dma_wait3A_135 = arith.constant 0 : i32
      %dma_wait3A_136 = tpu.memref_slice %arg10[%run_scoped3A_4, %dma_wait3A_135] : memref<5x128xi32, #tpu.memory_space<vmem>> -> memref<1x128xi32, #tpu.memory_space<vmem>>
      %dma_wait3A_137 = tpu.memref_squeeze %dma_wait3A_136 : memref<1x128xi32, #tpu.memory_space<vmem>> -> memref<128xi32, #tpu.memory_space<vmem>>
      %dma_wait3A_138 = arith.constant 0 : i32
      %dma_wait3A_139 = arith.constant 0 : i32
      %dma_wait3A_140 = tpu.memref_slice %arg15[%dma_wait3A_138, %dma_wait3A_139] : memref<640x128xf32, #tpu.memory_space<vmem_shared>> -> memref<640x128xf32, #tpu.memory_space<vmem_shared>>
      tpu.wait_indirect_dma semaphore(%run_scoped3A_128 : memref<!tpu.dma_semaphore, #tpu.memory_space<semaphore_mem>>) src(%arg11 : memref<128x128xf32, #tpu.memory_space<vmem>>) dst(%dma_wait3A_140 : memref<640x128xf32, #tpu.memory_space<vmem_shared>>)
      tpu.yield
    }) : () -> ()
    %mul3A_5 = arith.constant 1264 : i32
    %mul3A_6 = arith.muli %arg0, %mul3A_5 : i32
    %mul3A_7 = arith.constant 79 : i32
    %mul3A_8 = arith.muli %arg1, %mul3A_7 : i32
    %add3A = arith.addi %mul3A_6, %mul3A_8 : i32
    "tpu.region"() ({
      %run_scoped3A_128 = tpu.sem_alloc : memref<!tpu.dma_semaphore, #tpu.memory_space<semaphore_mem>>
      %dma_start3A_129 = arith.constant 0 : i32
      %dma_start3A_130 = tpu.memref_slice %arg3[%add3A, %dma_start3A_129] : memref<2528x128xi32, #tpu.memory_space<hbm>> -> memref<79x128xi32, #tpu.memory_space<hbm>>
      %dma_start3A_131 = arith.constant 0 : i32
      %dma_start3A_132 = tpu.memref_slice %arg3[%add3A, %dma_start3A_131] : memref<2528x128xi32, #tpu.memory_space<hbm>> -> memref<79x128xi32, #tpu.memory_space<hbm>>
      tpu.enqueue_dma source(%dma_start3A_132 : memref<79x128xi32, #tpu.memory_space<hbm>>) target(%arg8 : memref<79x128xi32, #tpu.memory_space<vmem>>) target_semaphore(%run_scoped3A_128 : memref<!tpu.dma_semaphore, #tpu.memory_space<semaphore_mem>>)
      %dma_wait3A_133 = arith.constant 0 : i32
      %dma_wait3A_134 = tpu.memref_slice %arg3[%add3A, %dma_wait3A_133] : memref<2528x128xi32, #tpu.memory_space<hbm>> -> memref<79x128xi32, #tpu.memory_space<hbm>>
      %dma_wait3A_135 = arith.constant 0 : i32
      %dma_wait3A_136 = tpu.memref_slice %arg3[%add3A, %dma_wait3A_135] : memref<2528x128xi32, #tpu.memory_space<hbm>> -> memref<79x128xi32, #tpu.memory_space<hbm>>
      tpu.wait_dma2 semaphore(%run_scoped3A_128 : memref<!tpu.dma_semaphore, #tpu.memory_space<semaphore_mem>>) src(%dma_wait3A_136 : memref<79x128xi32, #tpu.memory_space<hbm>>) dst(%arg8 : memref<79x128xi32, #tpu.memory_space<vmem>>)
      tpu.yield
    }) : () -> ()
    "tpu.region"() ({
      %run_scoped3A_128 = tpu.sem_alloc : memref<!tpu.dma_semaphore, #tpu.memory_space<semaphore_mem>>
      %dma_start3A_129 = arith.constant 0 : i32
      %dma_start3A_130 = tpu.memref_slice %arg4[%add3A, %dma_start3A_129] : memref<2528x128xi32, #tpu.memory_space<hbm>> -> memref<79x128xi32, #tpu.memory_space<hbm>>
      %dma_start3A_131 = arith.constant 0 : i32
      %dma_start3A_132 = tpu.memref_slice %arg4[%add3A, %dma_start3A_131] : memref<2528x128xi32, #tpu.memory_space<hbm>> -> memref<79x128xi32, #tpu.memory_space<hbm>>
      tpu.enqueue_dma source(%dma_start3A_132 : memref<79x128xi32, #tpu.memory_space<hbm>>) target(%arg9 : memref<79x128xi32, #tpu.memory_space<vmem>>) target_semaphore(%run_scoped3A_128 : memref<!tpu.dma_semaphore, #tpu.memory_space<semaphore_mem>>)
      %dma_wait3A_133 = arith.constant 0 : i32
      %dma_wait3A_134 = tpu.memref_slice %arg4[%add3A, %dma_wait3A_133] : memref<2528x128xi32, #tpu.memory_space<hbm>> -> memref<79x128xi32, #tpu.memory_space<hbm>>
      %dma_wait3A_135 = arith.constant 0 : i32
      %dma_wait3A_136 = tpu.memref_slice %arg4[%add3A, %dma_wait3A_135] : memref<2528x128xi32, #tpu.memory_space<hbm>> -> memref<79x128xi32, #tpu.memory_space<hbm>>
      tpu.wait_dma2 semaphore(%run_scoped3A_128 : memref<!tpu.dma_semaphore, #tpu.memory_space<semaphore_mem>>) src(%dma_wait3A_136 : memref<79x128xi32, #tpu.memory_space<hbm>>) dst(%arg9 : memref<79x128xi32, #tpu.memory_space<vmem>>)
      tpu.yield
    }) : () -> ()
    %barrier3A = arith.constant 0 : index
    tpu.barrier barrier_id(%barrier3A)
    %scan3A = arith.constant 0 : i32
    %scan3A_9 = arith.constant 0 : i32
    %scan3A_10 = arith.constant 79 : i32
    %scan3A_11 = arith.addi %scan3A_9, %scan3A_10 : i32
    %scan3A_12 = arith.constant 1 : i32
    scf.for %scan3A_128 = %scan3A_9 to %scan3A_11 step %scan3A_12  : i32 {
      %dma_start3A_129 = arith.constant 0 : i32
      %dma_start3A_130 = tpu.memref_slice %arg8[%scan3A_128, %dma_start3A_129] : memref<79x128xi32, #tpu.memory_space<vmem>> -> memref<1x128xi32, #tpu.memory_space<vmem>>
      %dma_start3A_131 = tpu.memref_squeeze %dma_start3A_130 : memref<1x128xi32, #tpu.memory_space<vmem>> -> memref<128xi32, #tpu.memory_space<vmem>>
      %dma_start3A_132 = arith.constant 0 : i32
      %dma_start3A_133 = arith.constant 0 : i32
      %dma_start3A_134 = tpu.memref_slice %arg2[%dma_start3A_132, %dma_start3A_133] : memref<10240x128xf32, #tpu.memory_space<hbm>> -> memref<10240x128xf32, #tpu.memory_space<hbm>>
      tpu.enqueue_indirect_dma source(%dma_start3A_134 : memref<10240x128xf32, #tpu.memory_space<hbm>>) target(%arg11 : memref<128x128xf32, #tpu.memory_space<vmem>>) offsets(%dma_start3A_131 : memref<128xi32, #tpu.memory_space<vmem>>) semaphore(%arg16 : memref<!tpu.dma_semaphore, #tpu.memory_space<semaphore_mem>>)
      %dma_wait3A_135 = arith.constant 0 : i32
      %dma_wait3A_136 = tpu.memref_slice %arg8[%scan3A_128, %dma_wait3A_135] : memref<79x128xi32, #tpu.memory_space<vmem>> -> memref<1x128xi32, #tpu.memory_space<vmem>>
      %dma_wait3A_137 = tpu.memref_squeeze %dma_wait3A_136 : memref<1x128xi32, #tpu.memory_space<vmem>> -> memref<128xi32, #tpu.memory_space<vmem>>
      %dma_wait3A_138 = arith.constant 0 : i32
      %dma_wait3A_139 = arith.constant 0 : i32
      %dma_wait3A_140 = tpu.memref_slice %arg2[%dma_wait3A_138, %dma_wait3A_139] : memref<10240x128xf32, #tpu.memory_space<hbm>> -> memref<10240x128xf32, #tpu.memory_space<hbm>>
      tpu.wait_indirect_dma semaphore(%arg16 : memref<!tpu.dma_semaphore, #tpu.memory_space<semaphore_mem>>) src(%dma_wait3A_140 : memref<10240x128xf32, #tpu.memory_space<hbm>>) dst(%arg11 : memref<128x128xf32, #tpu.memory_space<vmem>>)
      "tpu.region"() ({
        %run_scoped3A_141 = tpu.sem_alloc : memref<!tpu.dma_semaphore, #tpu.memory_space<semaphore_mem>>
        %dma_start3A_142 = arith.constant 0 : i32
        %dma_start3A_143 = tpu.memref_slice %arg9[%scan3A_128, %dma_start3A_142] : memref<79x128xi32, #tpu.memory_space<vmem>> -> memref<1x128xi32, #tpu.memory_space<vmem>>
        %dma_start3A_144 = tpu.memref_squeeze %dma_start3A_143 : memref<1x128xi32, #tpu.memory_space<vmem>> -> memref<128xi32, #tpu.memory_space<vmem>>
        %dma_start3A_145 = arith.constant 0 : i32
        %dma_start3A_146 = arith.constant 0 : i32
        %dma_start3A_147 = tpu.memref_slice %arg15[%dma_start3A_145, %dma_start3A_146] : memref<640x128xf32, #tpu.memory_space<vmem_shared>> -> memref<640x128xf32, #tpu.memory_space<vmem_shared>>
        tpu.enqueue_indirect_dma source(%arg11 : memref<128x128xf32, #tpu.memory_space<vmem>>) target(%dma_start3A_147 : memref<640x128xf32, #tpu.memory_space<vmem_shared>>) offsets(%dma_start3A_144 : memref<128xi32, #tpu.memory_space<vmem>>) semaphore(%run_scoped3A_141 : memref<!tpu.dma_semaphore, #tpu.memory_space<semaphore_mem>>) {add = true}
        %dma_wait3A_148 = arith.constant 0 : i32
        %dma_wait3A_149 = tpu.memref_slice %arg9[%scan3A_128, %dma_wait3A_148] : memref<79x128xi32, #tpu.memory_space<vmem>> -> memref<1x128xi32, #tpu.memory_space<vmem>>
        %dma_wait3A_150 = tpu.memref_squeeze %dma_wait3A_149 : memref<1x128xi32, #tpu.memory_space<vmem>> -> memref<128xi32, #tpu.memory_space<vmem>>
        %dma_wait3A_151 = arith.constant 0 : i32
        %dma_wait3A_152 = arith.constant 0 : i32
        %dma_wait3A_153 = tpu.memref_slice %arg15[%dma_wait3A_151, %dma_wait3A_152] : memref<640x128xf32, #tpu.memory_space<vmem_shared>> -> memref<640x128xf32, #tpu.memory_space<vmem_shared>>
        tpu.wait_indirect_dma semaphore(%run_scoped3A_141 : memref<!tpu.dma_semaphore, #tpu.memory_space<semaphore_mem>>) src(%arg11 : memref<128x128xf32, #tpu.memory_space<vmem>>) dst(%dma_wait3A_153 : memref<640x128xf32, #tpu.memory_space<vmem_shared>>)
        tpu.yield
      }) : () -> ()
    }
    %scan3A_13 = arith.constant 79 : i32
    %barrier3A_14 = arith.constant 0 : index
    tpu.barrier barrier_id(%barrier3A_14)
    %dma_start3A = arith.constant 0 : i32
    %dma_start3A_15 = arith.constant 0 : i32
    %dma_start3A_16 = tpu.memref_slice %arg10[%dma_start3A, %dma_start3A_15] : memref<5x128xi32, #tpu.memory_space<vmem>> -> memref<1x128xi32, #tpu.memory_space<vmem>>
    %dma_start3A_17 = tpu.memref_squeeze %dma_start3A_16 : memref<1x128xi32, #tpu.memory_space<vmem>> -> memref<128xi32, #tpu.memory_space<vmem>>
    %dma_start3A_18 = arith.constant 0 : i32
    %dma_start3A_19 = arith.constant 0 : i32
    %dma_start3A_20 = tpu.memref_slice %arg15[%dma_start3A_18, %dma_start3A_19] : memref<640x128xf32, #tpu.memory_space<vmem_shared>> -> memref<640x128xf32, #tpu.memory_space<vmem_shared>>
    tpu.enqueue_indirect_dma source(%dma_start3A_20 : memref<640x128xf32, #tpu.memory_space<vmem_shared>>) target(%arg11 : memref<128x128xf32, #tpu.memory_space<vmem>>) offsets(%dma_start3A_17 : memref<128xi32, #tpu.memory_space<vmem>>) semaphore(%arg16 : memref<!tpu.dma_semaphore, #tpu.memory_space<semaphore_mem>>)
    %dma_wait3A = arith.constant 0 : i32
    %dma_wait3A_21 = arith.constant 0 : i32
    %dma_wait3A_22 = tpu.memref_slice %arg10[%dma_wait3A, %dma_wait3A_21] : memref<5x128xi32, #tpu.memory_space<vmem>> -> memref<1x128xi32, #tpu.memory_space<vmem>>
    %dma_wait3A_23 = tpu.memref_squeeze %dma_wait3A_22 : memref<1x128xi32, #tpu.memory_space<vmem>> -> memref<128xi32, #tpu.memory_space<vmem>>
    %dma_wait3A_24 = arith.constant 0 : i32
    %dma_wait3A_25 = arith.constant 0 : i32
    %dma_wait3A_26 = tpu.memref_slice %arg15[%dma_wait3A_24, %dma_wait3A_25] : memref<640x128xf32, #tpu.memory_space<vmem_shared>> -> memref<640x128xf32, #tpu.memory_space<vmem_shared>>
    tpu.wait_indirect_dma semaphore(%arg16 : memref<!tpu.dma_semaphore, #tpu.memory_space<semaphore_mem>>) src(%dma_wait3A_26 : memref<640x128xf32, #tpu.memory_space<vmem_shared>>) dst(%arg11 : memref<128x128xf32, #tpu.memory_space<vmem>>)
    %mul3A_27 = arith.constant 10240 : i32
    %mul3A_28 = arith.muli %arg0, %mul3A_27 : i32
    %mul3A_29 = arith.constant 5 : i32
    %mul3A_30 = arith.muli %arg1, %mul3A_29 : i32
    %add3A_31 = arith.constant 0 : i32
    %add3A_32 = arith.addi %mul3A_30, %add3A_31 : i32
    %mul3A_33 = arith.constant 128 : i32
    %mul3A_34 = arith.muli %add3A_32, %mul3A_33 : i32
    %add3A_35 = arith.addi %mul3A_28, %mul3A_34 : i32
    "tpu.region"() ({
      %run_scoped3A_128 = tpu.sem_alloc : memref<!tpu.dma_semaphore, #tpu.memory_space<semaphore_mem>>
      %dma_start3A_129 = arith.constant 0 : i32
      %dma_start3A_130 = tpu.memref_slice %arg7[%add3A_35, %dma_start3A_129] : memref<20480x128xf32, #tpu.memory_space<hbm>> -> memref<128x128xf32, #tpu.memory_space<hbm>>
      %dma_start3A_131 = arith.constant 0 : i32
      %dma_start3A_132 = tpu.memref_slice %arg7[%add3A_35, %dma_start3A_131] : memref<20480x128xf32, #tpu.memory_space<hbm>> -> memref<128x128xf32, #tpu.memory_space<hbm>>
      tpu.enqueue_dma source(%arg11 : memref<128x128xf32, #tpu.memory_space<vmem>>) target(%dma_start3A_132 : memref<128x128xf32, #tpu.memory_space<hbm>>) target_semaphore(%run_scoped3A_128 : memref<!tpu.dma_semaphore, #tpu.memory_space<semaphore_mem>>)
      %dma_wait3A_133 = arith.constant 0 : i32
      %dma_wait3A_134 = tpu.memref_slice %arg7[%add3A_35, %dma_wait3A_133] : memref<20480x128xf32, #tpu.memory_space<hbm>> -> memref<128x128xf32, #tpu.memory_space<hbm>>
      %dma_wait3A_135 = arith.constant 0 : i32
      %dma_wait3A_136 = tpu.memref_slice %arg7[%add3A_35, %dma_wait3A_135] : memref<20480x128xf32, #tpu.memory_space<hbm>> -> memref<128x128xf32, #tpu.memory_space<hbm>>
      tpu.wait_dma2 semaphore(%run_scoped3A_128 : memref<!tpu.dma_semaphore, #tpu.memory_space<semaphore_mem>>) src(%arg11 : memref<128x128xf32, #tpu.memory_space<vmem>>) dst(%dma_wait3A_136 : memref<128x128xf32, #tpu.memory_space<hbm>>)
      tpu.yield
    }) : () -> ()
    %dma_start3A_36 = arith.constant 1 : i32
    %dma_start3A_37 = arith.constant 0 : i32
    %dma_start3A_38 = tpu.memref_slice %arg10[%dma_start3A_36, %dma_start3A_37] : memref<5x128xi32, #tpu.memory_space<vmem>> -> memref<1x128xi32, #tpu.memory_space<vmem>>
    %dma_start3A_39 = tpu.memref_squeeze %dma_start3A_38 : memref<1x128xi32, #tpu.memory_space<vmem>> -> memref<128xi32, #tpu.memory_space<vmem>>
    %dma_start3A_40 = arith.constant 0 : i32
    %dma_start3A_41 = arith.constant 0 : i32
    %dma_start3A_42 = tpu.memref_slice %arg15[%dma_start3A_40, %dma_start3A_41] : memref<640x128xf32, #tpu.memory_space<vmem_shared>> -> memref<640x128xf32, #tpu.memory_space<vmem_shared>>
    tpu.enqueue_indirect_dma source(%dma_start3A_42 : memref<640x128xf32, #tpu.memory_space<vmem_shared>>) target(%arg11 : memref<128x128xf32, #tpu.memory_space<vmem>>) offsets(%dma_start3A_39 : memref<128xi32, #tpu.memory_space<vmem>>) semaphore(%arg16 : memref<!tpu.dma_semaphore, #tpu.memory_space<semaphore_mem>>)
    %dma_wait3A_43 = arith.constant 1 : i32
    %dma_wait3A_44 = arith.constant 0 : i32
    %dma_wait3A_45 = tpu.memref_slice %arg10[%dma_wait3A_43, %dma_wait3A_44] : memref<5x128xi32, #tpu.memory_space<vmem>> -> memref<1x128xi32, #tpu.memory_space<vmem>>
    %dma_wait3A_46 = tpu.memref_squeeze %dma_wait3A_45 : memref<1x128xi32, #tpu.memory_space<vmem>> -> memref<128xi32, #tpu.memory_space<vmem>>
    %dma_wait3A_47 = arith.constant 0 : i32
    %dma_wait3A_48 = arith.constant 0 : i32
    %dma_wait3A_49 = tpu.memref_slice %arg15[%dma_wait3A_47, %dma_wait3A_48] : memref<640x128xf32, #tpu.memory_space<vmem_shared>> -> memref<640x128xf32, #tpu.memory_space<vmem_shared>>
    tpu.wait_indirect_dma semaphore(%arg16 : memref<!tpu.dma_semaphore, #tpu.memory_space<semaphore_mem>>) src(%dma_wait3A_49 : memref<640x128xf32, #tpu.memory_space<vmem_shared>>) dst(%arg11 : memref<128x128xf32, #tpu.memory_space<vmem>>)
    %mul3A_50 = arith.constant 10240 : i32
    %mul3A_51 = arith.muli %arg0, %mul3A_50 : i32
    %mul3A_52 = arith.constant 5 : i32
    %mul3A_53 = arith.muli %arg1, %mul3A_52 : i32
    %add3A_54 = arith.constant 1 : i32
    %add3A_55 = arith.addi %mul3A_53, %add3A_54 : i32
    %mul3A_56 = arith.constant 128 : i32
    %mul3A_57 = arith.muli %add3A_55, %mul3A_56 : i32
    %add3A_58 = arith.addi %mul3A_51, %mul3A_57 : i32
    "tpu.region"() ({
      %run_scoped3A_128 = tpu.sem_alloc : memref<!tpu.dma_semaphore, #tpu.memory_space<semaphore_mem>>
      %dma_start3A_129 = arith.constant 0 : i32
      %dma_start3A_130 = tpu.memref_slice %arg7[%add3A_58, %dma_start3A_129] : memref<20480x128xf32, #tpu.memory_space<hbm>> -> memref<128x128xf32, #tpu.memory_space<hbm>>
      %dma_start3A_131 = arith.constant 0 : i32
      %dma_start3A_132 = tpu.memref_slice %arg7[%add3A_58, %dma_start3A_131] : memref<20480x128xf32, #tpu.memory_space<hbm>> -> memref<128x128xf32, #tpu.memory_space<hbm>>
      tpu.enqueue_dma source(%arg11 : memref<128x128xf32, #tpu.memory_space<vmem>>) target(%dma_start3A_132 : memref<128x128xf32, #tpu.memory_space<hbm>>) target_semaphore(%run_scoped3A_128 : memref<!tpu.dma_semaphore, #tpu.memory_space<semaphore_mem>>)
      %dma_wait3A_133 = arith.constant 0 : i32
      %dma_wait3A_134 = tpu.memref_slice %arg7[%add3A_58, %dma_wait3A_133] : memref<20480x128xf32, #tpu.memory_space<hbm>> -> memref<128x128xf32, #tpu.memory_space<hbm>>
      %dma_wait3A_135 = arith.constant 0 : i32
      %dma_wait3A_136 = tpu.memref_slice %arg7[%add3A_58, %dma_wait3A_135] : memref<20480x128xf32, #tpu.memory_space<hbm>> -> memref<128x128xf32, #tpu.memory_space<hbm>>
      tpu.wait_dma2 semaphore(%run_scoped3A_128 : memref<!tpu.dma_semaphore, #tpu.memory_space<semaphore_mem>>) src(%arg11 : memref<128x128xf32, #tpu.memory_space<vmem>>) dst(%dma_wait3A_136 : memref<128x128xf32, #tpu.memory_space<hbm>>)
      tpu.yield
    }) : () -> ()
    %dma_start3A_59 = arith.constant 2 : i32
    %dma_start3A_60 = arith.constant 0 : i32
    %dma_start3A_61 = tpu.memref_slice %arg10[%dma_start3A_59, %dma_start3A_60] : memref<5x128xi32, #tpu.memory_space<vmem>> -> memref<1x128xi32, #tpu.memory_space<vmem>>
    %dma_start3A_62 = tpu.memref_squeeze %dma_start3A_61 : memref<1x128xi32, #tpu.memory_space<vmem>> -> memref<128xi32, #tpu.memory_space<vmem>>
    %dma_start3A_63 = arith.constant 0 : i32
    %dma_start3A_64 = arith.constant 0 : i32
    %dma_start3A_65 = tpu.memref_slice %arg15[%dma_start3A_63, %dma_start3A_64] : memref<640x128xf32, #tpu.memory_space<vmem_shared>> -> memref<640x128xf32, #tpu.memory_space<vmem_shared>>
    tpu.enqueue_indirect_dma source(%dma_start3A_65 : memref<640x128xf32, #tpu.memory_space<vmem_shared>>) target(%arg11 : memref<128x128xf32, #tpu.memory_space<vmem>>) offsets(%dma_start3A_62 : memref<128xi32, #tpu.memory_space<vmem>>) semaphore(%arg16 : memref<!tpu.dma_semaphore, #tpu.memory_space<semaphore_mem>>)
    %dma_wait3A_66 = arith.constant 2 : i32
    %dma_wait3A_67 = arith.constant 0 : i32
    %dma_wait3A_68 = tpu.memref_slice %arg10[%dma_wait3A_66, %dma_wait3A_67] : memref<5x128xi32, #tpu.memory_space<vmem>> -> memref<1x128xi32, #tpu.memory_space<vmem>>
    %dma_wait3A_69 = tpu.memref_squeeze %dma_wait3A_68 : memref<1x128xi32, #tpu.memory_space<vmem>> -> memref<128xi32, #tpu.memory_space<vmem>>
    %dma_wait3A_70 = arith.constant 0 : i32
    %dma_wait3A_71 = arith.constant 0 : i32
    %dma_wait3A_72 = tpu.memref_slice %arg15[%dma_wait3A_70, %dma_wait3A_71] : memref<640x128xf32, #tpu.memory_space<vmem_shared>> -> memref<640x128xf32, #tpu.memory_space<vmem_shared>>
    tpu.wait_indirect_dma semaphore(%arg16 : memref<!tpu.dma_semaphore, #tpu.memory_space<semaphore_mem>>) src(%dma_wait3A_72 : memref<640x128xf32, #tpu.memory_space<vmem_shared>>) dst(%arg11 : memref<128x128xf32, #tpu.memory_space<vmem>>)
    %mul3A_73 = arith.constant 10240 : i32
    %mul3A_74 = arith.muli %arg0, %mul3A_73 : i32
    %mul3A_75 = arith.constant 5 : i32
    %mul3A_76 = arith.muli %arg1, %mul3A_75 : i32
    %add3A_77 = arith.constant 2 : i32
    %add3A_78 = arith.addi %mul3A_76, %add3A_77 : i32
    %mul3A_79 = arith.constant 128 : i32
    %mul3A_80 = arith.muli %add3A_78, %mul3A_79 : i32
    %add3A_81 = arith.addi %mul3A_74, %mul3A_80 : i32
    "tpu.region"() ({
      %run_scoped3A_128 = tpu.sem_alloc : memref<!tpu.dma_semaphore, #tpu.memory_space<semaphore_mem>>
      %dma_start3A_129 = arith.constant 0 : i32
      %dma_start3A_130 = tpu.memref_slice %arg7[%add3A_81, %dma_start3A_129] : memref<20480x128xf32, #tpu.memory_space<hbm>> -> memref<128x128xf32, #tpu.memory_space<hbm>>
      %dma_start3A_131 = arith.constant 0 : i32
      %dma_start3A_132 = tpu.memref_slice %arg7[%add3A_81, %dma_start3A_131] : memref<20480x128xf32, #tpu.memory_space<hbm>> -> memref<128x128xf32, #tpu.memory_space<hbm>>
      tpu.enqueue_dma source(%arg11 : memref<128x128xf32, #tpu.memory_space<vmem>>) target(%dma_start3A_132 : memref<128x128xf32, #tpu.memory_space<hbm>>) target_semaphore(%run_scoped3A_128 : memref<!tpu.dma_semaphore, #tpu.memory_space<semaphore_mem>>)
      %dma_wait3A_133 = arith.constant 0 : i32
      %dma_wait3A_134 = tpu.memref_slice %arg7[%add3A_81, %dma_wait3A_133] : memref<20480x128xf32, #tpu.memory_space<hbm>> -> memref<128x128xf32, #tpu.memory_space<hbm>>
      %dma_wait3A_135 = arith.constant 0 : i32
      %dma_wait3A_136 = tpu.memref_slice %arg7[%add3A_81, %dma_wait3A_135] : memref<20480x128xf32, #tpu.memory_space<hbm>> -> memref<128x128xf32, #tpu.memory_space<hbm>>
      tpu.wait_dma2 semaphore(%run_scoped3A_128 : memref<!tpu.dma_semaphore, #tpu.memory_space<semaphore_mem>>) src(%arg11 : memref<128x128xf32, #tpu.memory_space<vmem>>) dst(%dma_wait3A_136 : memref<128x128xf32, #tpu.memory_space<hbm>>)
      tpu.yield
    }) : () -> ()
    %dma_start3A_82 = arith.constant 3 : i32
    %dma_start3A_83 = arith.constant 0 : i32
    %dma_start3A_84 = tpu.memref_slice %arg10[%dma_start3A_82, %dma_start3A_83] : memref<5x128xi32, #tpu.memory_space<vmem>> -> memref<1x128xi32, #tpu.memory_space<vmem>>
    %dma_start3A_85 = tpu.memref_squeeze %dma_start3A_84 : memref<1x128xi32, #tpu.memory_space<vmem>> -> memref<128xi32, #tpu.memory_space<vmem>>
    %dma_start3A_86 = arith.constant 0 : i32
    %dma_start3A_87 = arith.constant 0 : i32
    %dma_start3A_88 = tpu.memref_slice %arg15[%dma_start3A_86, %dma_start3A_87] : memref<640x128xf32, #tpu.memory_space<vmem_shared>> -> memref<640x128xf32, #tpu.memory_space<vmem_shared>>
    tpu.enqueue_indirect_dma source(%dma_start3A_88 : memref<640x128xf32, #tpu.memory_space<vmem_shared>>) target(%arg11 : memref<128x128xf32, #tpu.memory_space<vmem>>) offsets(%dma_start3A_85 : memref<128xi32, #tpu.memory_space<vmem>>) semaphore(%arg16 : memref<!tpu.dma_semaphore, #tpu.memory_space<semaphore_mem>>)
    %dma_wait3A_89 = arith.constant 3 : i32
    %dma_wait3A_90 = arith.constant 0 : i32
    %dma_wait3A_91 = tpu.memref_slice %arg10[%dma_wait3A_89, %dma_wait3A_90] : memref<5x128xi32, #tpu.memory_space<vmem>> -> memref<1x128xi32, #tpu.memory_space<vmem>>
    %dma_wait3A_92 = tpu.memref_squeeze %dma_wait3A_91 : memref<1x128xi32, #tpu.memory_space<vmem>> -> memref<128xi32, #tpu.memory_space<vmem>>
    %dma_wait3A_93 = arith.constant 0 : i32
    %dma_wait3A_94 = arith.constant 0 : i32
    %dma_wait3A_95 = tpu.memref_slice %arg15[%dma_wait3A_93, %dma_wait3A_94] : memref<640x128xf32, #tpu.memory_space<vmem_shared>> -> memref<640x128xf32, #tpu.memory_space<vmem_shared>>
    tpu.wait_indirect_dma semaphore(%arg16 : memref<!tpu.dma_semaphore, #tpu.memory_space<semaphore_mem>>) src(%dma_wait3A_95 : memref<640x128xf32, #tpu.memory_space<vmem_shared>>) dst(%arg11 : memref<128x128xf32, #tpu.memory_space<vmem>>)
    %mul3A_96 = arith.constant 10240 : i32
    %mul3A_97 = arith.muli %arg0, %mul3A_96 : i32
    %mul3A_98 = arith.constant 5 : i32
    %mul3A_99 = arith.muli %arg1, %mul3A_98 : i32
    %add3A_100 = arith.constant 3 : i32
    %add3A_101 = arith.addi %mul3A_99, %add3A_100 : i32
    %mul3A_102 = arith.constant 128 : i32
    %mul3A_103 = arith.muli %add3A_101, %mul3A_102 : i32
    %add3A_104 = arith.addi %mul3A_97, %mul3A_103 : i32
    "tpu.region"() ({
      %run_scoped3A_128 = tpu.sem_alloc : memref<!tpu.dma_semaphore, #tpu.memory_space<semaphore_mem>>
      %dma_start3A_129 = arith.constant 0 : i32
      %dma_start3A_130 = tpu.memref_slice %arg7[%add3A_104, %dma_start3A_129] : memref<20480x128xf32, #tpu.memory_space<hbm>> -> memref<128x128xf32, #tpu.memory_space<hbm>>
      %dma_start3A_131 = arith.constant 0 : i32
      %dma_start3A_132 = tpu.memref_slice %arg7[%add3A_104, %dma_start3A_131] : memref<20480x128xf32, #tpu.memory_space<hbm>> -> memref<128x128xf32, #tpu.memory_space<hbm>>
      tpu.enqueue_dma source(%arg11 : memref<128x128xf32, #tpu.memory_space<vmem>>) target(%dma_start3A_132 : memref<128x128xf32, #tpu.memory_space<hbm>>) target_semaphore(%run_scoped3A_128 : memref<!tpu.dma_semaphore, #tpu.memory_space<semaphore_mem>>)
      %dma_wait3A_133 = arith.constant 0 : i32
      %dma_wait3A_134 = tpu.memref_slice %arg7[%add3A_104, %dma_wait3A_133] : memref<20480x128xf32, #tpu.memory_space<hbm>> -> memref<128x128xf32, #tpu.memory_space<hbm>>
      %dma_wait3A_135 = arith.constant 0 : i32
      %dma_wait3A_136 = tpu.memref_slice %arg7[%add3A_104, %dma_wait3A_135] : memref<20480x128xf32, #tpu.memory_space<hbm>> -> memref<128x128xf32, #tpu.memory_space<hbm>>
      tpu.wait_dma2 semaphore(%run_scoped3A_128 : memref<!tpu.dma_semaphore, #tpu.memory_space<semaphore_mem>>) src(%arg11 : memref<128x128xf32, #tpu.memory_space<vmem>>) dst(%dma_wait3A_136 : memref<128x128xf32, #tpu.memory_space<hbm>>)
      tpu.yield
    }) : () -> ()
    %dma_start3A_105 = arith.constant 4 : i32
    %dma_start3A_106 = arith.constant 0 : i32
    %dma_start3A_107 = tpu.memref_slice %arg10[%dma_start3A_105, %dma_start3A_106] : memref<5x128xi32, #tpu.memory_space<vmem>> -> memref<1x128xi32, #tpu.memory_space<vmem>>
    %dma_start3A_108 = tpu.memref_squeeze %dma_start3A_107 : memref<1x128xi32, #tpu.memory_space<vmem>> -> memref<128xi32, #tpu.memory_space<vmem>>
    %dma_start3A_109 = arith.constant 0 : i32
    %dma_start3A_110 = arith.constant 0 : i32
    %dma_start3A_111 = tpu.memref_slice %arg15[%dma_start3A_109, %dma_start3A_110] : memref<640x128xf32, #tpu.memory_space<vmem_shared>> -> memref<640x128xf32, #tpu.memory_space<vmem_shared>>
    tpu.enqueue_indirect_dma source(%dma_start3A_111 : memref<640x128xf32, #tpu.memory_space<vmem_shared>>) target(%arg11 : memref<128x128xf32, #tpu.memory_space<vmem>>) offsets(%dma_start3A_108 : memref<128xi32, #tpu.memory_space<vmem>>) semaphore(%arg16 : memref<!tpu.dma_semaphore, #tpu.memory_space<semaphore_mem>>)
    %dma_wait3A_112 = arith.constant 4 : i32
    %dma_wait3A_113 = arith.constant 0 : i32
    %dma_wait3A_114 = tpu.memref_slice %arg10[%dma_wait3A_112, %dma_wait3A_113] : memref<5x128xi32, #tpu.memory_space<vmem>> -> memref<1x128xi32, #tpu.memory_space<vmem>>
    %dma_wait3A_115 = tpu.memref_squeeze %dma_wait3A_114 : memref<1x128xi32, #tpu.memory_space<vmem>> -> memref<128xi32, #tpu.memory_space<vmem>>
    %dma_wait3A_116 = arith.constant 0 : i32
    %dma_wait3A_117 = arith.constant 0 : i32
    %dma_wait3A_118 = tpu.memref_slice %arg15[%dma_wait3A_116, %dma_wait3A_117] : memref<640x128xf32, #tpu.memory_space<vmem_shared>> -> memref<640x128xf32, #tpu.memory_space<vmem_shared>>
    tpu.wait_indirect_dma semaphore(%arg16 : memref<!tpu.dma_semaphore, #tpu.memory_space<semaphore_mem>>) src(%dma_wait3A_118 : memref<640x128xf32, #tpu.memory_space<vmem_shared>>) dst(%arg11 : memref<128x128xf32, #tpu.memory_space<vmem>>)
    %mul3A_119 = arith.constant 10240 : i32
    %mul3A_120 = arith.muli %arg0, %mul3A_119 : i32
    %mul3A_121 = arith.constant 5 : i32
    %mul3A_122 = arith.muli %arg1, %mul3A_121 : i32
    %add3A_123 = arith.constant 4 : i32
    %add3A_124 = arith.addi %mul3A_122, %add3A_123 : i32
    %mul3A_125 = arith.constant 128 : i32
    %mul3A_126 = arith.muli %add3A_124, %mul3A_125 : i32
    %add3A_127 = arith.addi %mul3A_120, %mul3A_126 : i32
    "tpu.region"() ({
      %run_scoped3A_128 = tpu.sem_alloc : memref<!tpu.dma_semaphore, #tpu.memory_space<semaphore_mem>>
      %dma_start3A_129 = arith.constant 0 : i32
      %dma_start3A_130 = tpu.memref_slice %arg7[%add3A_127, %dma_start3A_129] : memref<20480x128xf32, #tpu.memory_space<hbm>> -> memref<128x128xf32, #tpu.memory_space<hbm>>
      %dma_start3A_131 = arith.constant 0 : i32
      %dma_start3A_132 = tpu.memref_slice %arg7[%add3A_127, %dma_start3A_131] : memref<20480x128xf32, #tpu.memory_space<hbm>> -> memref<128x128xf32, #tpu.memory_space<hbm>>
      tpu.enqueue_dma source(%arg11 : memref<128x128xf32, #tpu.memory_space<vmem>>) target(%dma_start3A_132 : memref<128x128xf32, #tpu.memory_space<hbm>>) target_semaphore(%run_scoped3A_128 : memref<!tpu.dma_semaphore, #tpu.memory_space<semaphore_mem>>)
      %dma_wait3A_133 = arith.constant 0 : i32
      %dma_wait3A_134 = tpu.memref_slice %arg7[%add3A_127, %dma_wait3A_133] : memref<20480x128xf32, #tpu.memory_space<hbm>> -> memref<128x128xf32, #tpu.memory_space<hbm>>
      %dma_wait3A_135 = arith.constant 0 : i32
      %dma_wait3A_136 = tpu.memref_slice %arg7[%add3A_127, %dma_wait3A_135] : memref<20480x128xf32, #tpu.memory_space<hbm>> -> memref<128x128xf32, #tpu.memory_space<hbm>>
      tpu.wait_dma2 semaphore(%run_scoped3A_128 : memref<!tpu.dma_semaphore, #tpu.memory_space<semaphore_mem>>) src(%arg11 : memref<128x128xf32, #tpu.memory_space<vmem>>) dst(%dma_wait3A_136 : memref<128x128xf32, #tpu.memory_space<hbm>>)
      tpu.yield
    }) : () -> ()
    return
  }
}

#map = affine_map<(d0, d1) -> (0, 0)>
module attributes {stable_mosaic.version = 14 : i64} {
  func.func @_edge_agg(%arg0: i32, %arg1: i32, %arg2: memref<10240x128xf32, #tpu.memory_space<hbm>>, %arg3: memref<2528x128xi32, #tpu.memory_space<hbm>>, %arg4: memref<2528x128xi32, #tpu.memory_space<hbm>>, %arg5: memref<128x128xf32, #tpu.memory_space<hbm>>, %arg6: memref<80x128xi32, #tpu.memory_space<hbm>>, %arg7: memref<20480x128xf32, #tpu.memory_space<hbm>>, %arg8: memref<79x128xi32, #tpu.memory_space<vmem>>, %arg9: memref<79x128xi32, #tpu.memory_space<vmem>>, %arg10: memref<5x128xi32, #tpu.memory_space<vmem>>, %arg11: memref<128x128xf32, #tpu.memory_space<vmem>>, %arg12: memref<128x128xf32, #tpu.memory_space<vmem>>, %arg13: memref<128x128xf32, #tpu.memory_space<vmem>>, %arg14: memref<128x128xf32, #tpu.memory_space<vmem>>, %arg15: memref<640x128xf32, #tpu.memory_space<vmem_shared>>, %arg16: memref<!tpu.dma_semaphore, #tpu.memory_space<semaphore_mem>>, %arg17: memref<!tpu.dma_semaphore, #tpu.memory_space<semaphore_mem>>) attributes {dimension_semantics = [#tpu.dimension_semantics<core_parallel>, #tpu.dimension_semantics<subcore_parallel>], iteration_bounds = array<i64: 2, 16>, scalar_prefetch = 0 : i64, scratch_operands = 10 : i64, tpu.core_type = #tpu.core_type<sc_vector_subcore>, window_params = [{transform_indices = #map}, {transform_indices = #map}, {transform_indices = #map}, {transform_indices = #map}, {transform_indices = #map}, {transform_indices = #map}]} {
    "tpu.region"() ({
      %run_scoped3A_128 = tpu.sem_alloc : memref<!tpu.dma_semaphore, #tpu.memory_space<semaphore_mem>>
      tpu.enqueue_dma source(%arg5 : memref<128x128xf32, #tpu.memory_space<hbm>>) target(%arg11 : memref<128x128xf32, #tpu.memory_space<vmem>>) target_semaphore(%run_scoped3A_128 : memref<!tpu.dma_semaphore, #tpu.memory_space<semaphore_mem>>)
      tpu.wait_dma2 semaphore(%run_scoped3A_128 : memref<!tpu.dma_semaphore, #tpu.memory_space<semaphore_mem>>) src(%arg5 : memref<128x128xf32, #tpu.memory_space<hbm>>) dst(%arg11 : memref<128x128xf32, #tpu.memory_space<vmem>>)
      tpu.yield
    }) : () -> ()
    %mul3A = arith.constant 5 : i32
    %mul3A_0 = arith.muli %arg1, %mul3A : i32
    "tpu.region"() ({
      %run_scoped3A_128 = tpu.sem_alloc : memref<!tpu.dma_semaphore, #tpu.memory_space<semaphore_mem>>
      %dma_start3A_129 = arith.constant 0 : i32
      %dma_start3A_130 = tpu.memref_slice %arg6[%mul3A_0, %dma_start3A_129] : memref<80x128xi32, #tpu.memory_space<hbm>> -> memref<5x128xi32, #tpu.memory_space<hbm>>
      %dma_start3A_131 = arith.constant 0 : i32
      %dma_start3A_132 = tpu.memref_slice %arg6[%mul3A_0, %dma_start3A_131] : memref<80x128xi32, #tpu.memory_space<hbm>> -> memref<5x128xi32, #tpu.memory_space<hbm>>
      tpu.enqueue_dma source(%dma_start3A_132 : memref<5x128xi32, #tpu.memory_space<hbm>>) target(%arg10 : memref<5x128xi32, #tpu.memory_space<vmem>>) target_semaphore(%run_scoped3A_128 : memref<!tpu.dma_semaphore, #tpu.memory_space<semaphore_mem>>)
      %dma_wait3A_133 = arith.constant 0 : i32
      %dma_wait3A_134 = tpu.memref_slice %arg6[%mul3A_0, %dma_wait3A_133] : memref<80x128xi32, #tpu.memory_space<hbm>> -> memref<5x128xi32, #tpu.memory_space<hbm>>
      %dma_wait3A_135 = arith.constant 0 : i32
      %dma_wait3A_136 = tpu.memref_slice %arg6[%mul3A_0, %dma_wait3A_135] : memref<80x128xi32, #tpu.memory_space<hbm>> -> memref<5x128xi32, #tpu.memory_space<hbm>>
      tpu.wait_dma2 semaphore(%run_scoped3A_128 : memref<!tpu.dma_semaphore, #tpu.memory_space<semaphore_mem>>) src(%dma_wait3A_136 : memref<5x128xi32, #tpu.memory_space<hbm>>) dst(%arg10 : memref<5x128xi32, #tpu.memory_space<vmem>>)
      tpu.yield
    }) : () -> ()
    %run_scoped3A = arith.constant 0 : i32
    "tpu.region"() ({
      %run_scoped3A_128 = tpu.sem_alloc : memref<!tpu.dma_semaphore, #tpu.memory_space<semaphore_mem>>
      %dma_start3A_129 = arith.constant 0 : i32
      %dma_start3A_130 = tpu.memref_slice %arg10[%run_scoped3A, %dma_start3A_129] : memref<5x128xi32, #tpu.memory_space<vmem>> -> memref<1x128xi32, #tpu.memory_space<vmem>>
      %dma_start3A_131 = tpu.memref_squeeze %dma_start3A_130 : memref<1x128xi32, #tpu.memory_space<vmem>> -> memref<128xi32, #tpu.memory_space<vmem>>
      %dma_start3A_132 = arith.constant 0 : i32
      %dma_start3A_133 = arith.constant 0 : i32
      %dma_start3A_134 = tpu.memref_slice %arg15[%dma_start3A_132, %dma_start3A_133] : memref<640x128xf32, #tpu.memory_space<vmem_shared>> -> memref<640x128xf32, #tpu.memory_space<vmem_shared>>
      tpu.enqueue_indirect_dma source(%arg11 : memref<128x128xf32, #tpu.memory_space<vmem>>) target(%dma_start3A_134 : memref<640x128xf32, #tpu.memory_space<vmem_shared>>) offsets(%dma_start3A_131 : memref<128xi32, #tpu.memory_space<vmem>>) semaphore(%run_scoped3A_128 : memref<!tpu.dma_semaphore, #tpu.memory_space<semaphore_mem>>)
      %dma_wait3A_135 = arith.constant 0 : i32
      %dma_wait3A_136 = tpu.memref_slice %arg10[%run_scoped3A, %dma_wait3A_135] : memref<5x128xi32, #tpu.memory_space<vmem>> -> memref<1x128xi32, #tpu.memory_space<vmem>>
      %dma_wait3A_137 = tpu.memref_squeeze %dma_wait3A_136 : memref<1x128xi32, #tpu.memory_space<vmem>> -> memref<128xi32, #tpu.memory_space<vmem>>
      %dma_wait3A_138 = arith.constant 0 : i32
      %dma_wait3A_139 = arith.constant 0 : i32
      %dma_wait3A_140 = tpu.memref_slice %arg15[%dma_wait3A_138, %dma_wait3A_139] : memref<640x128xf32, #tpu.memory_space<vmem_shared>> -> memref<640x128xf32, #tpu.memory_space<vmem_shared>>
      tpu.wait_indirect_dma semaphore(%run_scoped3A_128 : memref<!tpu.dma_semaphore, #tpu.memory_space<semaphore_mem>>) src(%arg11 : memref<128x128xf32, #tpu.memory_space<vmem>>) dst(%dma_wait3A_140 : memref<640x128xf32, #tpu.memory_space<vmem_shared>>)
      tpu.yield
    }) : () -> ()
    %run_scoped3A_1 = arith.constant 1 : i32
    "tpu.region"() ({
      %run_scoped3A_128 = tpu.sem_alloc : memref<!tpu.dma_semaphore, #tpu.memory_space<semaphore_mem>>
      %dma_start3A_129 = arith.constant 0 : i32
      %dma_start3A_130 = tpu.memref_slice %arg10[%run_scoped3A_1, %dma_start3A_129] : memref<5x128xi32, #tpu.memory_space<vmem>> -> memref<1x128xi32, #tpu.memory_space<vmem>>
      %dma_start3A_131 = tpu.memref_squeeze %dma_start3A_130 : memref<1x128xi32, #tpu.memory_space<vmem>> -> memref<128xi32, #tpu.memory_space<vmem>>
      %dma_start3A_132 = arith.constant 0 : i32
      %dma_start3A_133 = arith.constant 0 : i32
      %dma_start3A_134 = tpu.memref_slice %arg15[%dma_start3A_132, %dma_start3A_133] : memref<640x128xf32, #tpu.memory_space<vmem_shared>> -> memref<640x128xf32, #tpu.memory_space<vmem_shared>>
      tpu.enqueue_indirect_dma source(%arg11 : memref<128x128xf32, #tpu.memory_space<vmem>>) target(%dma_start3A_134 : memref<640x128xf32, #tpu.memory_space<vmem_shared>>) offsets(%dma_start3A_131 : memref<128xi32, #tpu.memory_space<vmem>>) semaphore(%run_scoped3A_128 : memref<!tpu.dma_semaphore, #tpu.memory_space<semaphore_mem>>)
      %dma_wait3A_135 = arith.constant 0 : i32
      %dma_wait3A_136 = tpu.memref_slice %arg10[%run_scoped3A_1, %dma_wait3A_135] : memref<5x128xi32, #tpu.memory_space<vmem>> -> memref<1x128xi32, #tpu.memory_space<vmem>>
      %dma_wait3A_137 = tpu.memref_squeeze %dma_wait3A_136 : memref<1x128xi32, #tpu.memory_space<vmem>> -> memref<128xi32, #tpu.memory_space<vmem>>
      %dma_wait3A_138 = arith.constant 0 : i32
      %dma_wait3A_139 = arith.constant 0 : i32
      %dma_wait3A_140 = tpu.memref_slice %arg15[%dma_wait3A_138, %dma_wait3A_139] : memref<640x128xf32, #tpu.memory_space<vmem_shared>> -> memref<640x128xf32, #tpu.memory_space<vmem_shared>>
      tpu.wait_indirect_dma semaphore(%run_scoped3A_128 : memref<!tpu.dma_semaphore, #tpu.memory_space<semaphore_mem>>) src(%arg11 : memref<128x128xf32, #tpu.memory_space<vmem>>) dst(%dma_wait3A_140 : memref<640x128xf32, #tpu.memory_space<vmem_shared>>)
      tpu.yield
    }) : () -> ()
    %run_scoped3A_2 = arith.constant 2 : i32
    "tpu.region"() ({
      %run_scoped3A_128 = tpu.sem_alloc : memref<!tpu.dma_semaphore, #tpu.memory_space<semaphore_mem>>
      %dma_start3A_129 = arith.constant 0 : i32
      %dma_start3A_130 = tpu.memref_slice %arg10[%run_scoped3A_2, %dma_start3A_129] : memref<5x128xi32, #tpu.memory_space<vmem>> -> memref<1x128xi32, #tpu.memory_space<vmem>>
      %dma_start3A_131 = tpu.memref_squeeze %dma_start3A_130 : memref<1x128xi32, #tpu.memory_space<vmem>> -> memref<128xi32, #tpu.memory_space<vmem>>
      %dma_start3A_132 = arith.constant 0 : i32
      %dma_start3A_133 = arith.constant 0 : i32
      %dma_start3A_134 = tpu.memref_slice %arg15[%dma_start3A_132, %dma_start3A_133] : memref<640x128xf32, #tpu.memory_space<vmem_shared>> -> memref<640x128xf32, #tpu.memory_space<vmem_shared>>
      tpu.enqueue_indirect_dma source(%arg11 : memref<128x128xf32, #tpu.memory_space<vmem>>) target(%dma_start3A_134 : memref<640x128xf32, #tpu.memory_space<vmem_shared>>) offsets(%dma_start3A_131 : memref<128xi32, #tpu.memory_space<vmem>>) semaphore(%run_scoped3A_128 : memref<!tpu.dma_semaphore, #tpu.memory_space<semaphore_mem>>)
      %dma_wait3A_135 = arith.constant 0 : i32
      %dma_wait3A_136 = tpu.memref_slice %arg10[%run_scoped3A_2, %dma_wait3A_135] : memref<5x128xi32, #tpu.memory_space<vmem>> -> memref<1x128xi32, #tpu.memory_space<vmem>>
      %dma_wait3A_137 = tpu.memref_squeeze %dma_wait3A_136 : memref<1x128xi32, #tpu.memory_space<vmem>> -> memref<128xi32, #tpu.memory_space<vmem>>
      %dma_wait3A_138 = arith.constant 0 : i32
      %dma_wait3A_139 = arith.constant 0 : i32
      %dma_wait3A_140 = tpu.memref_slice %arg15[%dma_wait3A_138, %dma_wait3A_139] : memref<640x128xf32, #tpu.memory_space<vmem_shared>> -> memref<640x128xf32, #tpu.memory_space<vmem_shared>>
      tpu.wait_indirect_dma semaphore(%run_scoped3A_128 : memref<!tpu.dma_semaphore, #tpu.memory_space<semaphore_mem>>) src(%arg11 : memref<128x128xf32, #tpu.memory_space<vmem>>) dst(%dma_wait3A_140 : memref<640x128xf32, #tpu.memory_space<vmem_shared>>)
      tpu.yield
    }) : () -> ()
    %run_scoped3A_3 = arith.constant 3 : i32
    "tpu.region"() ({
      %run_scoped3A_128 = tpu.sem_alloc : memref<!tpu.dma_semaphore, #tpu.memory_space<semaphore_mem>>
      %dma_start3A_129 = arith.constant 0 : i32
      %dma_start3A_130 = tpu.memref_slice %arg10[%run_scoped3A_3, %dma_start3A_129] : memref<5x128xi32, #tpu.memory_space<vmem>> -> memref<1x128xi32, #tpu.memory_space<vmem>>
      %dma_start3A_131 = tpu.memref_squeeze %dma_start3A_130 : memref<1x128xi32, #tpu.memory_space<vmem>> -> memref<128xi32, #tpu.memory_space<vmem>>
      %dma_start3A_132 = arith.constant 0 : i32
      %dma_start3A_133 = arith.constant 0 : i32
      %dma_start3A_134 = tpu.memref_slice %arg15[%dma_start3A_132, %dma_start3A_133] : memref<640x128xf32, #tpu.memory_space<vmem_shared>> -> memref<640x128xf32, #tpu.memory_space<vmem_shared>>
      tpu.enqueue_indirect_dma source(%arg11 : memref<128x128xf32, #tpu.memory_space<vmem>>) target(%dma_start3A_134 : memref<640x128xf32, #tpu.memory_space<vmem_shared>>) offsets(%dma_start3A_131 : memref<128xi32, #tpu.memory_space<vmem>>) semaphore(%run_scoped3A_128 : memref<!tpu.dma_semaphore, #tpu.memory_space<semaphore_mem>>)
      %dma_wait3A_135 = arith.constant 0 : i32
      %dma_wait3A_136 = tpu.memref_slice %arg10[%run_scoped3A_3, %dma_wait3A_135] : memref<5x128xi32, #tpu.memory_space<vmem>> -> memref<1x128xi32, #tpu.memory_space<vmem>>
      %dma_wait3A_137 = tpu.memref_squeeze %dma_wait3A_136 : memref<1x128xi32, #tpu.memory_space<vmem>> -> memref<128xi32, #tpu.memory_space<vmem>>
      %dma_wait3A_138 = arith.constant 0 : i32
      %dma_wait3A_139 = arith.constant 0 : i32
      %dma_wait3A_140 = tpu.memref_slice %arg15[%dma_wait3A_138, %dma_wait3A_139] : memref<640x128xf32, #tpu.memory_space<vmem_shared>> -> memref<640x128xf32, #tpu.memory_space<vmem_shared>>
      tpu.wait_indirect_dma semaphore(%run_scoped3A_128 : memref<!tpu.dma_semaphore, #tpu.memory_space<semaphore_mem>>) src(%arg11 : memref<128x128xf32, #tpu.memory_space<vmem>>) dst(%dma_wait3A_140 : memref<640x128xf32, #tpu.memory_space<vmem_shared>>)
      tpu.yield
    }) : () -> ()
    %run_scoped3A_4 = arith.constant 4 : i32
    "tpu.region"() ({
      %run_scoped3A_128 = tpu.sem_alloc : memref<!tpu.dma_semaphore, #tpu.memory_space<semaphore_mem>>
      %dma_start3A_129 = arith.constant 0 : i32
      %dma_start3A_130 = tpu.memref_slice %arg10[%run_scoped3A_4, %dma_start3A_129] : memref<5x128xi32, #tpu.memory_space<vmem>> -> memref<1x128xi32, #tpu.memory_space<vmem>>
      %dma_start3A_131 = tpu.memref_squeeze %dma_start3A_130 : memref<1x128xi32, #tpu.memory_space<vmem>> -> memref<128xi32, #tpu.memory_space<vmem>>
      %dma_start3A_132 = arith.constant 0 : i32
      %dma_start3A_133 = arith.constant 0 : i32
      %dma_start3A_134 = tpu.memref_slice %arg15[%dma_start3A_132, %dma_start3A_133] : memref<640x128xf32, #tpu.memory_space<vmem_shared>> -> memref<640x128xf32, #tpu.memory_space<vmem_shared>>
      tpu.enqueue_indirect_dma source(%arg11 : memref<128x128xf32, #tpu.memory_space<vmem>>) target(%dma_start3A_134 : memref<640x128xf32, #tpu.memory_space<vmem_shared>>) offsets(%dma_start3A_131 : memref<128xi32, #tpu.memory_space<vmem>>) semaphore(%run_scoped3A_128 : memref<!tpu.dma_semaphore, #tpu.memory_space<semaphore_mem>>)
      %dma_wait3A_135 = arith.constant 0 : i32
      %dma_wait3A_136 = tpu.memref_slice %arg10[%run_scoped3A_4, %dma_wait3A_135] : memref<5x128xi32, #tpu.memory_space<vmem>> -> memref<1x128xi32, #tpu.memory_space<vmem>>
      %dma_wait3A_137 = tpu.memref_squeeze %dma_wait3A_136 : memref<1x128xi32, #tpu.memory_space<vmem>> -> memref<128xi32, #tpu.memory_space<vmem>>
      %dma_wait3A_138 = arith.constant 0 : i32
      %dma_wait3A_139 = arith.constant 0 : i32
      %dma_wait3A_140 = tpu.memref_slice %arg15[%dma_wait3A_138, %dma_wait3A_139] : memref<640x128xf32, #tpu.memory_space<vmem_shared>> -> memref<640x128xf32, #tpu.memory_space<vmem_shared>>
      tpu.wait_indirect_dma semaphore(%run_scoped3A_128 : memref<!tpu.dma_semaphore, #tpu.memory_space<semaphore_mem>>) src(%arg11 : memref<128x128xf32, #tpu.memory_space<vmem>>) dst(%dma_wait3A_140 : memref<640x128xf32, #tpu.memory_space<vmem_shared>>)
      tpu.yield
    }) : () -> ()
    %mul3A_5 = arith.constant 1264 : i32
    %mul3A_6 = arith.muli %arg0, %mul3A_5 : i32
    %mul3A_7 = arith.constant 79 : i32
    %mul3A_8 = arith.muli %arg1, %mul3A_7 : i32
    %add3A = arith.addi %mul3A_6, %mul3A_8 : i32
    "tpu.region"() ({
      %run_scoped3A_128 = tpu.sem_alloc : memref<!tpu.dma_semaphore, #tpu.memory_space<semaphore_mem>>
      %dma_start3A_129 = arith.constant 0 : i32
      %dma_start3A_130 = tpu.memref_slice %arg3[%add3A, %dma_start3A_129] : memref<2528x128xi32, #tpu.memory_space<hbm>> -> memref<79x128xi32, #tpu.memory_space<hbm>>
      %dma_start3A_131 = arith.constant 0 : i32
      %dma_start3A_132 = tpu.memref_slice %arg3[%add3A, %dma_start3A_131] : memref<2528x128xi32, #tpu.memory_space<hbm>> -> memref<79x128xi32, #tpu.memory_space<hbm>>
      tpu.enqueue_dma source(%dma_start3A_132 : memref<79x128xi32, #tpu.memory_space<hbm>>) target(%arg8 : memref<79x128xi32, #tpu.memory_space<vmem>>) target_semaphore(%run_scoped3A_128 : memref<!tpu.dma_semaphore, #tpu.memory_space<semaphore_mem>>)
      %dma_wait3A_133 = arith.constant 0 : i32
      %dma_wait3A_134 = tpu.memref_slice %arg3[%add3A, %dma_wait3A_133] : memref<2528x128xi32, #tpu.memory_space<hbm>> -> memref<79x128xi32, #tpu.memory_space<hbm>>
      %dma_wait3A_135 = arith.constant 0 : i32
      %dma_wait3A_136 = tpu.memref_slice %arg3[%add3A, %dma_wait3A_135] : memref<2528x128xi32, #tpu.memory_space<hbm>> -> memref<79x128xi32, #tpu.memory_space<hbm>>
      tpu.wait_dma2 semaphore(%run_scoped3A_128 : memref<!tpu.dma_semaphore, #tpu.memory_space<semaphore_mem>>) src(%dma_wait3A_136 : memref<79x128xi32, #tpu.memory_space<hbm>>) dst(%arg8 : memref<79x128xi32, #tpu.memory_space<vmem>>)
      tpu.yield
    }) : () -> ()
    "tpu.region"() ({
      %run_scoped3A_128 = tpu.sem_alloc : memref<!tpu.dma_semaphore, #tpu.memory_space<semaphore_mem>>
      %dma_start3A_129 = arith.constant 0 : i32
      %dma_start3A_130 = tpu.memref_slice %arg4[%add3A, %dma_start3A_129] : memref<2528x128xi32, #tpu.memory_space<hbm>> -> memref<79x128xi32, #tpu.memory_space<hbm>>
      %dma_start3A_131 = arith.constant 0 : i32
      %dma_start3A_132 = tpu.memref_slice %arg4[%add3A, %dma_start3A_131] : memref<2528x128xi32, #tpu.memory_space<hbm>> -> memref<79x128xi32, #tpu.memory_space<hbm>>
      tpu.enqueue_dma source(%dma_start3A_132 : memref<79x128xi32, #tpu.memory_space<hbm>>) target(%arg9 : memref<79x128xi32, #tpu.memory_space<vmem>>) target_semaphore(%run_scoped3A_128 : memref<!tpu.dma_semaphore, #tpu.memory_space<semaphore_mem>>)
      %dma_wait3A_133 = arith.constant 0 : i32
      %dma_wait3A_134 = tpu.memref_slice %arg4[%add3A, %dma_wait3A_133] : memref<2528x128xi32, #tpu.memory_space<hbm>> -> memref<79x128xi32, #tpu.memory_space<hbm>>
      %dma_wait3A_135 = arith.constant 0 : i32
      %dma_wait3A_136 = tpu.memref_slice %arg4[%add3A, %dma_wait3A_135] : memref<2528x128xi32, #tpu.memory_space<hbm>> -> memref<79x128xi32, #tpu.memory_space<hbm>>
      tpu.wait_dma2 semaphore(%run_scoped3A_128 : memref<!tpu.dma_semaphore, #tpu.memory_space<semaphore_mem>>) src(%dma_wait3A_136 : memref<79x128xi32, #tpu.memory_space<hbm>>) dst(%arg9 : memref<79x128xi32, #tpu.memory_space<vmem>>)
      tpu.yield
    }) : () -> ()
    %barrier3A = arith.constant 0 : index
    tpu.barrier barrier_id(%barrier3A)
    %scan3A = arith.constant 0 : i32
    %scan3A_9 = arith.constant 0 : i32
    %scan3A_10 = arith.constant 79 : i32
    %scan3A_11 = arith.addi %scan3A_9, %scan3A_10 : i32
    %scan3A_12 = arith.constant 1 : i32
    scf.for %scan3A_128 = %scan3A_9 to %scan3A_11 step %scan3A_12  : i32 {
      %dma_start3A_129 = arith.constant 0 : i32
      %dma_start3A_130 = tpu.memref_slice %arg8[%scan3A_128, %dma_start3A_129] : memref<79x128xi32, #tpu.memory_space<vmem>> -> memref<1x128xi32, #tpu.memory_space<vmem>>
      %dma_start3A_131 = tpu.memref_squeeze %dma_start3A_130 : memref<1x128xi32, #tpu.memory_space<vmem>> -> memref<128xi32, #tpu.memory_space<vmem>>
      %dma_start3A_132 = arith.constant 0 : i32
      %dma_start3A_133 = arith.constant 0 : i32
      %dma_start3A_134 = tpu.memref_slice %arg2[%dma_start3A_132, %dma_start3A_133] : memref<10240x128xf32, #tpu.memory_space<hbm>> -> memref<10240x128xf32, #tpu.memory_space<hbm>>
      tpu.enqueue_indirect_dma source(%dma_start3A_134 : memref<10240x128xf32, #tpu.memory_space<hbm>>) target(%arg11 : memref<128x128xf32, #tpu.memory_space<vmem>>) offsets(%dma_start3A_131 : memref<128xi32, #tpu.memory_space<vmem>>) semaphore(%arg16 : memref<!tpu.dma_semaphore, #tpu.memory_space<semaphore_mem>>)
      %dma_wait3A_135 = arith.constant 0 : i32
      %dma_wait3A_136 = tpu.memref_slice %arg8[%scan3A_128, %dma_wait3A_135] : memref<79x128xi32, #tpu.memory_space<vmem>> -> memref<1x128xi32, #tpu.memory_space<vmem>>
      %dma_wait3A_137 = tpu.memref_squeeze %dma_wait3A_136 : memref<1x128xi32, #tpu.memory_space<vmem>> -> memref<128xi32, #tpu.memory_space<vmem>>
      %dma_wait3A_138 = arith.constant 0 : i32
      %dma_wait3A_139 = arith.constant 0 : i32
      %dma_wait3A_140 = tpu.memref_slice %arg2[%dma_wait3A_138, %dma_wait3A_139] : memref<10240x128xf32, #tpu.memory_space<hbm>> -> memref<10240x128xf32, #tpu.memory_space<hbm>>
      tpu.wait_indirect_dma semaphore(%arg16 : memref<!tpu.dma_semaphore, #tpu.memory_space<semaphore_mem>>) src(%dma_wait3A_140 : memref<10240x128xf32, #tpu.memory_space<hbm>>) dst(%arg11 : memref<128x128xf32, #tpu.memory_space<vmem>>)
      "tpu.region"() ({
        %run_scoped3A_141 = tpu.sem_alloc : memref<!tpu.dma_semaphore, #tpu.memory_space<semaphore_mem>>
        %dma_start3A_142 = arith.constant 0 : i32
        %dma_start3A_143 = tpu.memref_slice %arg9[%scan3A_128, %dma_start3A_142] : memref<79x128xi32, #tpu.memory_space<vmem>> -> memref<1x128xi32, #tpu.memory_space<vmem>>
        %dma_start3A_144 = tpu.memref_squeeze %dma_start3A_143 : memref<1x128xi32, #tpu.memory_space<vmem>> -> memref<128xi32, #tpu.memory_space<vmem>>
        %dma_start3A_145 = arith.constant 0 : i32
        %dma_start3A_146 = arith.constant 0 : i32
        %dma_start3A_147 = tpu.memref_slice %arg15[%dma_start3A_145, %dma_start3A_146] : memref<640x128xf32, #tpu.memory_space<vmem_shared>> -> memref<640x128xf32, #tpu.memory_space<vmem_shared>>
        tpu.enqueue_indirect_dma source(%arg11 : memref<128x128xf32, #tpu.memory_space<vmem>>) target(%dma_start3A_147 : memref<640x128xf32, #tpu.memory_space<vmem_shared>>) offsets(%dma_start3A_144 : memref<128xi32, #tpu.memory_space<vmem>>) semaphore(%run_scoped3A_141 : memref<!tpu.dma_semaphore, #tpu.memory_space<semaphore_mem>>) {add = true}
        %dma_wait3A_148 = arith.constant 0 : i32
        %dma_wait3A_149 = tpu.memref_slice %arg9[%scan3A_128, %dma_wait3A_148] : memref<79x128xi32, #tpu.memory_space<vmem>> -> memref<1x128xi32, #tpu.memory_space<vmem>>
        %dma_wait3A_150 = tpu.memref_squeeze %dma_wait3A_149 : memref<1x128xi32, #tpu.memory_space<vmem>> -> memref<128xi32, #tpu.memory_space<vmem>>
        %dma_wait3A_151 = arith.constant 0 : i32
        %dma_wait3A_152 = arith.constant 0 : i32
        %dma_wait3A_153 = tpu.memref_slice %arg15[%dma_wait3A_151, %dma_wait3A_152] : memref<640x128xf32, #tpu.memory_space<vmem_shared>> -> memref<640x128xf32, #tpu.memory_space<vmem_shared>>
        tpu.wait_indirect_dma semaphore(%run_scoped3A_141 : memref<!tpu.dma_semaphore, #tpu.memory_space<semaphore_mem>>) src(%arg11 : memref<128x128xf32, #tpu.memory_space<vmem>>) dst(%dma_wait3A_153 : memref<640x128xf32, #tpu.memory_space<vmem_shared>>)
        tpu.yield
      }) : () -> ()
    }
    %scan3A_13 = arith.constant 79 : i32
    %barrier3A_14 = arith.constant 0 : index
    tpu.barrier barrier_id(%barrier3A_14)
    %dma_start3A = arith.constant 0 : i32
    %dma_start3A_15 = arith.constant 0 : i32
    %dma_start3A_16 = tpu.memref_slice %arg10[%dma_start3A, %dma_start3A_15] : memref<5x128xi32, #tpu.memory_space<vmem>> -> memref<1x128xi32, #tpu.memory_space<vmem>>
    %dma_start3A_17 = tpu.memref_squeeze %dma_start3A_16 : memref<1x128xi32, #tpu.memory_space<vmem>> -> memref<128xi32, #tpu.memory_space<vmem>>
    %dma_start3A_18 = arith.constant 0 : i32
    %dma_start3A_19 = arith.constant 0 : i32
    %dma_start3A_20 = tpu.memref_slice %arg15[%dma_start3A_18, %dma_start3A_19] : memref<640x128xf32, #tpu.memory_space<vmem_shared>> -> memref<640x128xf32, #tpu.memory_space<vmem_shared>>
    tpu.enqueue_indirect_dma source(%dma_start3A_20 : memref<640x128xf32, #tpu.memory_space<vmem_shared>>) target(%arg11 : memref<128x128xf32, #tpu.memory_space<vmem>>) offsets(%dma_start3A_17 : memref<128xi32, #tpu.memory_space<vmem>>) semaphore(%arg16 : memref<!tpu.dma_semaphore, #tpu.memory_space<semaphore_mem>>)
    %dma_wait3A = arith.constant 0 : i32
    %dma_wait3A_21 = arith.constant 0 : i32
    %dma_wait3A_22 = tpu.memref_slice %arg10[%dma_wait3A, %dma_wait3A_21] : memref<5x128xi32, #tpu.memory_space<vmem>> -> memref<1x128xi32, #tpu.memory_space<vmem>>
    %dma_wait3A_23 = tpu.memref_squeeze %dma_wait3A_22 : memref<1x128xi32, #tpu.memory_space<vmem>> -> memref<128xi32, #tpu.memory_space<vmem>>
    %dma_wait3A_24 = arith.constant 0 : i32
    %dma_wait3A_25 = arith.constant 0 : i32
    %dma_wait3A_26 = tpu.memref_slice %arg15[%dma_wait3A_24, %dma_wait3A_25] : memref<640x128xf32, #tpu.memory_space<vmem_shared>> -> memref<640x128xf32, #tpu.memory_space<vmem_shared>>
    tpu.wait_indirect_dma semaphore(%arg16 : memref<!tpu.dma_semaphore, #tpu.memory_space<semaphore_mem>>) src(%dma_wait3A_26 : memref<640x128xf32, #tpu.memory_space<vmem_shared>>) dst(%arg11 : memref<128x128xf32, #tpu.memory_space<vmem>>)
    %mul3A_27 = arith.constant 10240 : i32
    %mul3A_28 = arith.muli %arg0, %mul3A_27 : i32
    %mul3A_29 = arith.constant 5 : i32
    %mul3A_30 = arith.muli %arg1, %mul3A_29 : i32
    %add3A_31 = arith.constant 0 : i32
    %add3A_32 = arith.addi %mul3A_30, %add3A_31 : i32
    %mul3A_33 = arith.constant 128 : i32
    %mul3A_34 = arith.muli %add3A_32, %mul3A_33 : i32
    %add3A_35 = arith.addi %mul3A_28, %mul3A_34 : i32
    "tpu.region"() ({
      %run_scoped3A_128 = tpu.sem_alloc : memref<!tpu.dma_semaphore, #tpu.memory_space<semaphore_mem>>
      %dma_start3A_129 = arith.constant 0 : i32
      %dma_start3A_130 = tpu.memref_slice %arg7[%add3A_35, %dma_start3A_129] : memref<20480x128xf32, #tpu.memory_space<hbm>> -> memref<128x128xf32, #tpu.memory_space<hbm>>
      %dma_start3A_131 = arith.constant 0 : i32
      %dma_start3A_132 = tpu.memref_slice %arg7[%add3A_35, %dma_start3A_131] : memref<20480x128xf32, #tpu.memory_space<hbm>> -> memref<128x128xf32, #tpu.memory_space<hbm>>
      tpu.enqueue_dma source(%arg11 : memref<128x128xf32, #tpu.memory_space<vmem>>) target(%dma_start3A_132 : memref<128x128xf32, #tpu.memory_space<hbm>>) target_semaphore(%run_scoped3A_128 : memref<!tpu.dma_semaphore, #tpu.memory_space<semaphore_mem>>)
      %dma_wait3A_133 = arith.constant 0 : i32
      %dma_wait3A_134 = tpu.memref_slice %arg7[%add3A_35, %dma_wait3A_133] : memref<20480x128xf32, #tpu.memory_space<hbm>> -> memref<128x128xf32, #tpu.memory_space<hbm>>
      %dma_wait3A_135 = arith.constant 0 : i32
      %dma_wait3A_136 = tpu.memref_slice %arg7[%add3A_35, %dma_wait3A_135] : memref<20480x128xf32, #tpu.memory_space<hbm>> -> memref<128x128xf32, #tpu.memory_space<hbm>>
      tpu.wait_dma2 semaphore(%run_scoped3A_128 : memref<!tpu.dma_semaphore, #tpu.memory_space<semaphore_mem>>) src(%arg11 : memref<128x128xf32, #tpu.memory_space<vmem>>) dst(%dma_wait3A_136 : memref<128x128xf32, #tpu.memory_space<hbm>>)
      tpu.yield
    }) : () -> ()
    %dma_start3A_36 = arith.constant 1 : i32
    %dma_start3A_37 = arith.constant 0 : i32
    %dma_start3A_38 = tpu.memref_slice %arg10[%dma_start3A_36, %dma_start3A_37] : memref<5x128xi32, #tpu.memory_space<vmem>> -> memref<1x128xi32, #tpu.memory_space<vmem>>
    %dma_start3A_39 = tpu.memref_squeeze %dma_start3A_38 : memref<1x128xi32, #tpu.memory_space<vmem>> -> memref<128xi32, #tpu.memory_space<vmem>>
    %dma_start3A_40 = arith.constant 0 : i32
    %dma_start3A_41 = arith.constant 0 : i32
    %dma_start3A_42 = tpu.memref_slice %arg15[%dma_start3A_40, %dma_start3A_41] : memref<640x128xf32, #tpu.memory_space<vmem_shared>> -> memref<640x128xf32, #tpu.memory_space<vmem_shared>>
    tpu.enqueue_indirect_dma source(%dma_start3A_42 : memref<640x128xf32, #tpu.memory_space<vmem_shared>>) target(%arg11 : memref<128x128xf32, #tpu.memory_space<vmem>>) offsets(%dma_start3A_39 : memref<128xi32, #tpu.memory_space<vmem>>) semaphore(%arg16 : memref<!tpu.dma_semaphore, #tpu.memory_space<semaphore_mem>>)
    %dma_wait3A_43 = arith.constant 1 : i32
    %dma_wait3A_44 = arith.constant 0 : i32
    %dma_wait3A_45 = tpu.memref_slice %arg10[%dma_wait3A_43, %dma_wait3A_44] : memref<5x128xi32, #tpu.memory_space<vmem>> -> memref<1x128xi32, #tpu.memory_space<vmem>>
    %dma_wait3A_46 = tpu.memref_squeeze %dma_wait3A_45 : memref<1x128xi32, #tpu.memory_space<vmem>> -> memref<128xi32, #tpu.memory_space<vmem>>
    %dma_wait3A_47 = arith.constant 0 : i32
    %dma_wait3A_48 = arith.constant 0 : i32
    %dma_wait3A_49 = tpu.memref_slice %arg15[%dma_wait3A_47, %dma_wait3A_48] : memref<640x128xf32, #tpu.memory_space<vmem_shared>> -> memref<640x128xf32, #tpu.memory_space<vmem_shared>>
    tpu.wait_indirect_dma semaphore(%arg16 : memref<!tpu.dma_semaphore, #tpu.memory_space<semaphore_mem>>) src(%dma_wait3A_49 : memref<640x128xf32, #tpu.memory_space<vmem_shared>>) dst(%arg11 : memref<128x128xf32, #tpu.memory_space<vmem>>)
    %mul3A_50 = arith.constant 10240 : i32
    %mul3A_51 = arith.muli %arg0, %mul3A_50 : i32
    %mul3A_52 = arith.constant 5 : i32
    %mul3A_53 = arith.muli %arg1, %mul3A_52 : i32
    %add3A_54 = arith.constant 1 : i32
    %add3A_55 = arith.addi %mul3A_53, %add3A_54 : i32
    %mul3A_56 = arith.constant 128 : i32
    %mul3A_57 = arith.muli %add3A_55, %mul3A_56 : i32
    %add3A_58 = arith.addi %mul3A_51, %mul3A_57 : i32
    "tpu.region"() ({
      %run_scoped3A_128 = tpu.sem_alloc : memref<!tpu.dma_semaphore, #tpu.memory_space<semaphore_mem>>
      %dma_start3A_129 = arith.constant 0 : i32
      %dma_start3A_130 = tpu.memref_slice %arg7[%add3A_58, %dma_start3A_129] : memref<20480x128xf32, #tpu.memory_space<hbm>> -> memref<128x128xf32, #tpu.memory_space<hbm>>
      %dma_start3A_131 = arith.constant 0 : i32
      %dma_start3A_132 = tpu.memref_slice %arg7[%add3A_58, %dma_start3A_131] : memref<20480x128xf32, #tpu.memory_space<hbm>> -> memref<128x128xf32, #tpu.memory_space<hbm>>
      tpu.enqueue_dma source(%arg11 : memref<128x128xf32, #tpu.memory_space<vmem>>) target(%dma_start3A_132 : memref<128x128xf32, #tpu.memory_space<hbm>>) target_semaphore(%run_scoped3A_128 : memref<!tpu.dma_semaphore, #tpu.memory_space<semaphore_mem>>)
      %dma_wait3A_133 = arith.constant 0 : i32
      %dma_wait3A_134 = tpu.memref_slice %arg7[%add3A_58, %dma_wait3A_133] : memref<20480x128xf32, #tpu.memory_space<hbm>> -> memref<128x128xf32, #tpu.memory_space<hbm>>
      %dma_wait3A_135 = arith.constant 0 : i32
      %dma_wait3A_136 = tpu.memref_slice %arg7[%add3A_58, %dma_wait3A_135] : memref<20480x128xf32, #tpu.memory_space<hbm>> -> memref<128x128xf32, #tpu.memory_space<hbm>>
      tpu.wait_dma2 semaphore(%run_scoped3A_128 : memref<!tpu.dma_semaphore, #tpu.memory_space<semaphore_mem>>) src(%arg11 : memref<128x128xf32, #tpu.memory_space<vmem>>) dst(%dma_wait3A_136 : memref<128x128xf32, #tpu.memory_space<hbm>>)
      tpu.yield
    }) : () -> ()
    %dma_start3A_59 = arith.constant 2 : i32
    %dma_start3A_60 = arith.constant 0 : i32
    %dma_start3A_61 = tpu.memref_slice %arg10[%dma_start3A_59, %dma_start3A_60] : memref<5x128xi32, #tpu.memory_space<vmem>> -> memref<1x128xi32, #tpu.memory_space<vmem>>
    %dma_start3A_62 = tpu.memref_squeeze %dma_start3A_61 : memref<1x128xi32, #tpu.memory_space<vmem>> -> memref<128xi32, #tpu.memory_space<vmem>>
    %dma_start3A_63 = arith.constant 0 : i32
    %dma_start3A_64 = arith.constant 0 : i32
    %dma_start3A_65 = tpu.memref_slice %arg15[%dma_start3A_63, %dma_start3A_64] : memref<640x128xf32, #tpu.memory_space<vmem_shared>> -> memref<640x128xf32, #tpu.memory_space<vmem_shared>>
    tpu.enqueue_indirect_dma source(%dma_start3A_65 : memref<640x128xf32, #tpu.memory_space<vmem_shared>>) target(%arg11 : memref<128x128xf32, #tpu.memory_space<vmem>>) offsets(%dma_start3A_62 : memref<128xi32, #tpu.memory_space<vmem>>) semaphore(%arg16 : memref<!tpu.dma_semaphore, #tpu.memory_space<semaphore_mem>>)
    %dma_wait3A_66 = arith.constant 2 : i32
    %dma_wait3A_67 = arith.constant 0 : i32
    %dma_wait3A_68 = tpu.memref_slice %arg10[%dma_wait3A_66, %dma_wait3A_67] : memref<5x128xi32, #tpu.memory_space<vmem>> -> memref<1x128xi32, #tpu.memory_space<vmem>>
    %dma_wait3A_69 = tpu.memref_squeeze %dma_wait3A_68 : memref<1x128xi32, #tpu.memory_space<vmem>> -> memref<128xi32, #tpu.memory_space<vmem>>
    %dma_wait3A_70 = arith.constant 0 : i32
    %dma_wait3A_71 = arith.constant 0 : i32
    %dma_wait3A_72 = tpu.memref_slice %arg15[%dma_wait3A_70, %dma_wait3A_71] : memref<640x128xf32, #tpu.memory_space<vmem_shared>> -> memref<640x128xf32, #tpu.memory_space<vmem_shared>>
    tpu.wait_indirect_dma semaphore(%arg16 : memref<!tpu.dma_semaphore, #tpu.memory_space<semaphore_mem>>) src(%dma_wait3A_72 : memref<640x128xf32, #tpu.memory_space<vmem_shared>>) dst(%arg11 : memref<128x128xf32, #tpu.memory_space<vmem>>)
    %mul3A_73 = arith.constant 10240 : i32
    %mul3A_74 = arith.muli %arg0, %mul3A_73 : i32
    %mul3A_75 = arith.constant 5 : i32
    %mul3A_76 = arith.muli %arg1, %mul3A_75 : i32
    %add3A_77 = arith.constant 2 : i32
    %add3A_78 = arith.addi %mul3A_76, %add3A_77 : i32
    %mul3A_79 = arith.constant 128 : i32
    %mul3A_80 = arith.muli %add3A_78, %mul3A_79 : i32
    %add3A_81 = arith.addi %mul3A_74, %mul3A_80 : i32
    "tpu.region"() ({
      %run_scoped3A_128 = tpu.sem_alloc : memref<!tpu.dma_semaphore, #tpu.memory_space<semaphore_mem>>
      %dma_start3A_129 = arith.constant 0 : i32
      %dma_start3A_130 = tpu.memref_slice %arg7[%add3A_81, %dma_start3A_129] : memref<20480x128xf32, #tpu.memory_space<hbm>> -> memref<128x128xf32, #tpu.memory_space<hbm>>
      %dma_start3A_131 = arith.constant 0 : i32
      %dma_start3A_132 = tpu.memref_slice %arg7[%add3A_81, %dma_start3A_131] : memref<20480x128xf32, #tpu.memory_space<hbm>> -> memref<128x128xf32, #tpu.memory_space<hbm>>
      tpu.enqueue_dma source(%arg11 : memref<128x128xf32, #tpu.memory_space<vmem>>) target(%dma_start3A_132 : memref<128x128xf32, #tpu.memory_space<hbm>>) target_semaphore(%run_scoped3A_128 : memref<!tpu.dma_semaphore, #tpu.memory_space<semaphore_mem>>)
      %dma_wait3A_133 = arith.constant 0 : i32
      %dma_wait3A_134 = tpu.memref_slice %arg7[%add3A_81, %dma_wait3A_133] : memref<20480x128xf32, #tpu.memory_space<hbm>> -> memref<128x128xf32, #tpu.memory_space<hbm>>
      %dma_wait3A_135 = arith.constant 0 : i32
      %dma_wait3A_136 = tpu.memref_slice %arg7[%add3A_81, %dma_wait3A_135] : memref<20480x128xf32, #tpu.memory_space<hbm>> -> memref<128x128xf32, #tpu.memory_space<hbm>>
      tpu.wait_dma2 semaphore(%run_scoped3A_128 : memref<!tpu.dma_semaphore, #tpu.memory_space<semaphore_mem>>) src(%arg11 : memref<128x128xf32, #tpu.memory_space<vmem>>) dst(%dma_wait3A_136 : memref<128x128xf32, #tpu.memory_space<hbm>>)
      tpu.yield
    }) : () -> ()
    %dma_start3A_82 = arith.constant 3 : i32
    %dma_start3A_83 = arith.constant 0 : i32
    %dma_start3A_84 = tpu.memref_slice %arg10[%dma_start3A_82, %dma_start3A_83] : memref<5x128xi32, #tpu.memory_space<vmem>> -> memref<1x128xi32, #tpu.memory_space<vmem>>
    %dma_start3A_85 = tpu.memref_squeeze %dma_start3A_84 : memref<1x128xi32, #tpu.memory_space<vmem>> -> memref<128xi32, #tpu.memory_space<vmem>>
    %dma_start3A_86 = arith.constant 0 : i32
    %dma_start3A_87 = arith.constant 0 : i32
    %dma_start3A_88 = tpu.memref_slice %arg15[%dma_start3A_86, %dma_start3A_87] : memref<640x128xf32, #tpu.memory_space<vmem_shared>> -> memref<640x128xf32, #tpu.memory_space<vmem_shared>>
    tpu.enqueue_indirect_dma source(%dma_start3A_88 : memref<640x128xf32, #tpu.memory_space<vmem_shared>>) target(%arg11 : memref<128x128xf32, #tpu.memory_space<vmem>>) offsets(%dma_start3A_85 : memref<128xi32, #tpu.memory_space<vmem>>) semaphore(%arg16 : memref<!tpu.dma_semaphore, #tpu.memory_space<semaphore_mem>>)
    %dma_wait3A_89 = arith.constant 3 : i32
    %dma_wait3A_90 = arith.constant 0 : i32
    %dma_wait3A_91 = tpu.memref_slice %arg10[%dma_wait3A_89, %dma_wait3A_90] : memref<5x128xi32, #tpu.memory_space<vmem>> -> memref<1x128xi32, #tpu.memory_space<vmem>>
    %dma_wait3A_92 = tpu.memref_squeeze %dma_wait3A_91 : memref<1x128xi32, #tpu.memory_space<vmem>> -> memref<128xi32, #tpu.memory_space<vmem>>
    %dma_wait3A_93 = arith.constant 0 : i32
    %dma_wait3A_94 = arith.constant 0 : i32
    %dma_wait3A_95 = tpu.memref_slice %arg15[%dma_wait3A_93, %dma_wait3A_94] : memref<640x128xf32, #tpu.memory_space<vmem_shared>> -> memref<640x128xf32, #tpu.memory_space<vmem_shared>>
    tpu.wait_indirect_dma semaphore(%arg16 : memref<!tpu.dma_semaphore, #tpu.memory_space<semaphore_mem>>) src(%dma_wait3A_95 : memref<640x128xf32, #tpu.memory_space<vmem_shared>>) dst(%arg11 : memref<128x128xf32, #tpu.memory_space<vmem>>)
    %mul3A_96 = arith.constant 10240 : i32
    %mul3A_97 = arith.muli %arg0, %mul3A_96 : i32
    %mul3A_98 = arith.constant 5 : i32
    %mul3A_99 = arith.muli %arg1, %mul3A_98 : i32
    %add3A_100 = arith.constant 3 : i32
    %add3A_101 = arith.addi %mul3A_99, %add3A_100 : i32
    %mul3A_102 = arith.constant 128 : i32
    %mul3A_103 = arith.muli %add3A_101, %mul3A_102 : i32
    %add3A_104 = arith.addi %mul3A_97, %mul3A_103 : i32
    "tpu.region"() ({
      %run_scoped3A_128 = tpu.sem_alloc : memref<!tpu.dma_semaphore, #tpu.memory_space<semaphore_mem>>
      %dma_start3A_129 = arith.constant 0 : i32
      %dma_start3A_130 = tpu.memref_slice %arg7[%add3A_104, %dma_start3A_129] : memref<20480x128xf32, #tpu.memory_space<hbm>> -> memref<128x128xf32, #tpu.memory_space<hbm>>
      %dma_start3A_131 = arith.constant 0 : i32
      %dma_start3A_132 = tpu.memref_slice %arg7[%add3A_104, %dma_start3A_131] : memref<20480x128xf32, #tpu.memory_space<hbm>> -> memref<128x128xf32, #tpu.memory_space<hbm>>
      tpu.enqueue_dma source(%arg11 : memref<128x128xf32, #tpu.memory_space<vmem>>) target(%dma_start3A_132 : memref<128x128xf32, #tpu.memory_space<hbm>>) target_semaphore(%run_scoped3A_128 : memref<!tpu.dma_semaphore, #tpu.memory_space<semaphore_mem>>)
      %dma_wait3A_133 = arith.constant 0 : i32
      %dma_wait3A_134 = tpu.memref_slice %arg7[%add3A_104, %dma_wait3A_133] : memref<20480x128xf32, #tpu.memory_space<hbm>> -> memref<128x128xf32, #tpu.memory_space<hbm>>
      %dma_wait3A_135 = arith.constant 0 : i32
      %dma_wait3A_136 = tpu.memref_slice %arg7[%add3A_104, %dma_wait3A_135] : memref<20480x128xf32, #tpu.memory_space<hbm>> -> memref<128x128xf32, #tpu.memory_space<hbm>>
      tpu.wait_dma2 semaphore(%run_scoped3A_128 : memref<!tpu.dma_semaphore, #tpu.memory_space<semaphore_mem>>) src(%arg11 : memref<128x128xf32, #tpu.memory_space<vmem>>) dst(%dma_wait3A_136 : memref<128x128xf32, #tpu.memory_space<hbm>>)
      tpu.yield
    }) : () -> ()
    %dma_start3A_105 = arith.constant 4 : i32
    %dma_start3A_106 = arith.constant 0 : i32
    %dma_start3A_107 = tpu.memref_slice %arg10[%dma_start3A_105, %dma_start3A_106] : memref<5x128xi32, #tpu.memory_space<vmem>> -> memref<1x128xi32, #tpu.memory_space<vmem>>
    %dma_start3A_108 = tpu.memref_squeeze %dma_start3A_107 : memref<1x128xi32, #tpu.memory_space<vmem>> -> memref<128xi32, #tpu.memory_space<vmem>>
    %dma_start3A_109 = arith.constant 0 : i32
    %dma_start3A_110 = arith.constant 0 : i32
    %dma_start3A_111 = tpu.memref_slice %arg15[%dma_start3A_109, %dma_start3A_110] : memref<640x128xf32, #tpu.memory_space<vmem_shared>> -> memref<640x128xf32, #tpu.memory_space<vmem_shared>>
    tpu.enqueue_indirect_dma source(%dma_start3A_111 : memref<640x128xf32, #tpu.memory_space<vmem_shared>>) target(%arg11 : memref<128x128xf32, #tpu.memory_space<vmem>>) offsets(%dma_start3A_108 : memref<128xi32, #tpu.memory_space<vmem>>) semaphore(%arg16 : memref<!tpu.dma_semaphore, #tpu.memory_space<semaphore_mem>>)
    %dma_wait3A_112 = arith.constant 4 : i32
    %dma_wait3A_113 = arith.constant 0 : i32
    %dma_wait3A_114 = tpu.memref_slice %arg10[%dma_wait3A_112, %dma_wait3A_113] : memref<5x128xi32, #tpu.memory_space<vmem>> -> memref<1x128xi32, #tpu.memory_space<vmem>>
    %dma_wait3A_115 = tpu.memref_squeeze %dma_wait3A_114 : memref<1x128xi32, #tpu.memory_space<vmem>> -> memref<128xi32, #tpu.memory_space<vmem>>
    %dma_wait3A_116 = arith.constant 0 : i32
    %dma_wait3A_117 = arith.constant 0 : i32
    %dma_wait3A_118 = tpu.memref_slice %arg15[%dma_wait3A_116, %dma_wait3A_117] : memref<640x128xf32, #tpu.memory_space<vmem_shared>> -> memref<640x128xf32, #tpu.memory_space<vmem_shared>>
    tpu.wait_indirect_dma semaphore(%arg16 : memref<!tpu.dma_semaphore, #tpu.memory_space<semaphore_mem>>) src(%dma_wait3A_118 : memref<640x128xf32, #tpu.memory_space<vmem_shared>>) dst(%arg11 : memref<128x128xf32, #tpu.memory_space<vmem>>)
    %mul3A_119 = arith.constant 10240 : i32
    %mul3A_120 = arith.muli %arg0, %mul3A_119 : i32
    %mul3A_121 = arith.constant 5 : i32
    %mul3A_122 = arith.muli %arg1, %mul3A_121 : i32
    %add3A_123 = arith.constant 4 : i32
    %add3A_124 = arith.addi %mul3A_122, %add3A_123 : i32
    %mul3A_125 = arith.constant 128 : i32
    %mul3A_126 = arith.muli %add3A_124, %mul3A_125 : i32
    %add3A_127 = arith.addi %mul3A_120, %mul3A_126 : i32
    "tpu.region"() ({
      %run_scoped3A_128 = tpu.sem_alloc : memref<!tpu.dma_semaphore, #tpu.memory_space<semaphore_mem>>
      %dma_start3A_129 = arith.constant 0 : i32
      %dma_start3A_130 = tpu.memref_slice %arg7[%add3A_127, %dma_start3A_129] : memref<20480x128xf32, #tpu.memory_space<hbm>> -> memref<128x128xf32, #tpu.memory_space<hbm>>
      %dma_start3A_131 = arith.constant 0 : i32
      %dma_start3A_132 = tpu.memref_slice %arg7[%add3A_127, %dma_start3A_131] : memref<20480x128xf32, #tpu.memory_space<hbm>> -> memref<128x128xf32, #tpu.memory_space<hbm>>
      tpu.enqueue_dma source(%arg11 : memref<128x128xf32, #tpu.memory_space<vmem>>) target(%dma_start3A_132 : memref<128x128xf32, #tpu.memory_space<hbm>>) target_semaphore(%run_scoped3A_128 : memref<!tpu.dma_semaphore, #tpu.memory_space<semaphore_mem>>)
      %dma_wait3A_133 = arith.constant 0 : i32
      %dma_wait3A_134 = tpu.memref_slice %arg7[%add3A_127, %dma_wait3A_133] : memref<20480x128xf32, #tpu.memory_space<hbm>> -> memref<128x128xf32, #tpu.memory_space<hbm>>
      %dma_wait3A_135 = arith.constant 0 : i32
      %dma_wait3A_136 = tpu.memref_slice %arg7[%add3A_127, %dma_wait3A_135] : memref<20480x128xf32, #tpu.memory_space<hbm>> -> memref<128x128xf32, #tpu.memory_space<hbm>>
      tpu.wait_dma2 semaphore(%run_scoped3A_128 : memref<!tpu.dma_semaphore, #tpu.memory_space<semaphore_mem>>) src(%arg11 : memref<128x128xf32, #tpu.memory_space<vmem>>) dst(%dma_wait3A_136 : memref<128x128xf32, #tpu.memory_space<hbm>>)
      tpu.yield
    }) : () -> ()
    return
  }
}

module attributes {stable_mosaic.version = 14 : i64} {
  func.func @_prep_body(%arg0: i32, %arg1: memref<1024x128xf32, #tpu.memory_space<vmem>>, %arg2: memref<32x1024xf32, #tpu.memory_space<vmem>>, %arg3: memref<1024x128xf32, #tpu.memory_space<vmem>>) attributes {dimension_semantics = [#tpu.dimension_semantics<arbitrary>], iteration_bounds = array<i64: 10>, scalar_prefetch = 0 : i64, scratch_operands = 0 : i64, tpu.core_type = #tpu.core_type<tc>, window_params = [{transform_indices = @transform_0, window_bounds = array<i64: 1024, 128>}, {transform_indices = @transform_1, window_bounds = array<i64: 32, 1024>}, {transform_indices = @transform_2, window_bounds = array<i64: 1024, 128>}]} {
    %get3A = arith.constant 0 : index
    %get3A_0 = arith.constant 0 : index
    %get3A_1 = vector.load %arg1[%get3A, %get3A_0] : memref<1024x128xf32, #tpu.memory_space<vmem>>, vector<1024x128xf32>
    %get3A_2 = arith.constant 0 : index
    %get3A_3 = arith.constant 0 : index
    %get3A_4 = vector.load %arg2[%get3A_2, %get3A_3] : memref<32x1024xf32, #tpu.memory_space<vmem>>, vector<32x1024xf32>
    %reduce_sum3A = arith.constant dense<0.000000e+00> : vector<1024xf32>
    %reduce_sum3A_5 = vector.multi_reduction <add>, %get3A_4, %reduce_sum3A [0] : vector<32x1024xf32> to vector<1024xf32>
    %max3A = arith.constant 1.000000e+00 : f32
    %max3A_6 = vector.broadcast %max3A : f32 to vector<1024xf32>
    %max3A_7 = arith.maximumf %reduce_sum3A_5, %max3A_6 : vector<1024xf32>
    %rsqrt3A = math.rsqrt %max3A_7 : vector<1024xf32>
    %broadcast_in_dim3A = vector.shape_cast %rsqrt3A : vector<1024xf32> to vector<1024x1xf32>
    %mul3A = vector.broadcast %broadcast_in_dim3A : vector<1024x1xf32> to vector<1024x128xf32>
    %mul3A_8 = arith.mulf %get3A_1, %mul3A : vector<1024x128xf32>
    %swap3A = arith.constant 0 : index
    %swap3A_9 = arith.constant 0 : index
    %swap3A_10 = vector.load %arg3[%swap3A, %swap3A_9] : memref<1024x128xf32, #tpu.memory_space<vmem>>, vector<1024x128xf32>
    tpu.vector_store %arg3[%swap3A, %swap3A_9], %mul3A_8 {strides = array<i32>} : memref<1024x128xf32, #tpu.memory_space<vmem>>, vector<1024x128xf32>,
    return
  }
  func.func @transform_0(%arg0: i32) -> (i32, i32) {
    %c0_i32 = arith.constant 0 : i32
    %c0_i32_0 = arith.constant 0 : i32
    return %arg0, %c0_i32 : i32, i32
  }
  func.func @transform_1(%arg0: i32) -> (i32, i32) {
    %c0_i32 = arith.constant 0 : i32
    %c0_i32_0 = arith.constant 0 : i32
    return %c0_i32, %arg0 : i32, i32
  }
  func.func @transform_2(%arg0: i32) -> (i32, i32) {
    %c0_i32 = arith.constant 0 : i32
    %c0_i32_0 = arith.constant 0 : i32
    return %arg0, %c0_i32 : i32, i32
  }
}

module attributes {stable_mosaic.version = 14 : i64} {
  func.func @_dense1_body(%arg0: i32, %arg1: memref<2x1024x128xf32, #tpu.memory_space<vmem>>, %arg2: memref<32x1024xf32, #tpu.memory_space<vmem>>, %arg3: memref<32x1024xf32, #tpu.memory_space<vmem>>, %arg4: memref<128x128xf32, #tpu.memory_space<vmem>>, %arg5: memref<128xf32, #tpu.memory_space<vmem>>, %arg6: memref<128xf32, #tpu.memory_space<vmem>>, %arg7: memref<1024x128xf32, #tpu.memory_space<vmem>>) attributes {dimension_semantics = [#tpu.dimension_semantics<arbitrary>], iteration_bounds = array<i64: 10>, scalar_prefetch = 0 : i64, scratch_operands = 0 : i64, tpu.core_type = #tpu.core_type<tc>, window_params = [{transform_indices = @transform_0, window_bounds = array<i64: 2, 1024, 128>}, {transform_indices = @transform_1, window_bounds = array<i64: 32, 1024>}, {transform_indices = @transform_2, window_bounds = array<i64: 32, 1024>}, {pipeline_mode = #tpu.pipeline_mode<synchronous>, transform_indices = @transform_3, window_bounds = array<i64: 128, 128>}, {pipeline_mode = #tpu.pipeline_mode<synchronous>, transform_indices = @transform_4, window_bounds = array<i64: 128>}, {pipeline_mode = #tpu.pipeline_mode<synchronous>, transform_indices = @transform_5, window_bounds = array<i64: 128>}, {transform_indices = @transform_6, window_bounds = array<i64: 1024, 128>}]} {
    %get3A = arith.constant 0 : index
    %get3A_0 = arith.constant 0 : index
    %get3A_1 = arith.constant 0 : index
    %get3A_2 = vector.load %arg1[%get3A, %get3A_0, %get3A_1] : memref<2x1024x128xf32, #tpu.memory_space<vmem>>, vector<1x1024x128xf32>
    %get3A_3 = vector.shape_cast %get3A_2 : vector<1x1024x128xf32> to vector<1024x128xf32>
    %get3A_4 = arith.constant 1 : index
    %get3A_5 = arith.constant 0 : index
    %get3A_6 = arith.constant 0 : index
    %get3A_7 = vector.load %arg1[%get3A_4, %get3A_5, %get3A_6] : memref<2x1024x128xf32, #tpu.memory_space<vmem>>, vector<1x1024x128xf32>
    %get3A_8 = vector.shape_cast %get3A_7 : vector<1x1024x128xf32> to vector<1024x128xf32>
    %add3A = arith.addf %get3A_3, %get3A_8 : vector<1024x128xf32>
    %get3A_9 = arith.constant 0 : index
    %get3A_10 = arith.constant 0 : index
    %get3A_11 = vector.load %arg2[%get3A_9, %get3A_10] : memref<32x1024xf32, #tpu.memory_space<vmem>>, vector<32x1024xf32>
    %reduce_sum3A = arith.constant dense<0.000000e+00> : vector<1024xf32>
    %reduce_sum3A_12 = vector.multi_reduction <add>, %get3A_11, %reduce_sum3A [0] : vector<32x1024xf32> to vector<1024xf32>
    %max3A = arith.constant 1.000000e+00 : f32
    %max3A_13 = vector.broadcast %max3A : f32 to vector<1024xf32>
    %max3A_14 = arith.maximumf %reduce_sum3A_12, %max3A_13 : vector<1024xf32>
    %rsqrt3A = math.rsqrt %max3A_14 : vector<1024xf32>
    %broadcast_in_dim3A = vector.shape_cast %rsqrt3A : vector<1024xf32> to vector<1024x1xf32>
    %mul3A = vector.broadcast %broadcast_in_dim3A : vector<1024x1xf32> to vector<1024x128xf32>
    %mul3A_15 = arith.mulf %add3A, %mul3A : vector<1024x128xf32>
    %get3A_16 = arith.constant 0 : index
    %get3A_17 = arith.constant 0 : index
    %get3A_18 = vector.load %arg4[%get3A_16, %get3A_17] : memref<128x128xf32, #tpu.memory_space<vmem>>, vector<128x128xf32>
    %dot_general3A = arith.constant dense<0.000000e+00> : vector<1024x128xf32>
    %dot_general3A_19 = tpu.matmul %mul3A_15, %get3A_18, %dot_general3A {dimension_numbers = #tpu.dot_dimension_numbers<[1], [0], [0], [1], [0, 0, 1, 1], [], []>, transpose_lhs_hint = false} : vector<1024x128xf32>, vector<128x128xf32>, vector<1024x128xf32> -> vector<1024x128xf32>
    %get3A_20 = arith.constant 0 : index
    %get3A_21 = vector.load %arg5[%get3A_20] : memref<128xf32, #tpu.memory_space<vmem>>, vector<128xf32>
    %broadcast_in_dim3A_22 = vector.shape_cast %get3A_21 : vector<128xf32> to vector<1x128xf32>
    %add3A_23 = vector.broadcast %broadcast_in_dim3A_22 : vector<1x128xf32> to vector<1024x128xf32>
    %add3A_24 = arith.addf %dot_general3A_19, %add3A_23 : vector<1024x128xf32>
    %ge3A = arith.constant 0.000000e+00 : f32
    %ge3A_25 = vector.broadcast %ge3A : f32 to vector<1024x128xf32>
    %ge3A_26 = arith.cmpf oge, %add3A_24, %ge3A_25 : vector<1024x128xf32>
    %get3A_27 = arith.constant 0 : index
    %get3A_28 = vector.load %arg6[%get3A_27] : memref<128xf32, #tpu.memory_space<vmem>>, vector<128xf32>
    %broadcast_in_dim3A_29 = vector.shape_cast %get3A_28 : vector<128xf32> to vector<1x128xf32>
    %mul3A_30 = vector.broadcast %broadcast_in_dim3A_29 : vector<1x128xf32> to vector<1024x128xf32>
    %mul3A_31 = arith.mulf %mul3A_30, %add3A_24 : vector<1024x128xf32>
    %select_n3A = arith.select %ge3A_26, %add3A_24, %mul3A_31 : vector<1024x128xi1>, vector<1024x128xf32>
    %get3A_32 = arith.constant 0 : index
    %get3A_33 = arith.constant 0 : index
    %get3A_34 = vector.load %arg3[%get3A_32, %get3A_33] : memref<32x1024xf32, #tpu.memory_space<vmem>>, vector<32x1024xf32>
    %reduce_sum3A_35 = arith.constant dense<0.000000e+00> : vector<1024xf32>
    %reduce_sum3A_36 = vector.multi_reduction <add>, %get3A_34, %reduce_sum3A_35 [0] : vector<32x1024xf32> to vector<1024xf32>
    %max3A_37 = arith.constant 1.000000e+00 : f32
    %max3A_38 = vector.broadcast %max3A_37 : f32 to vector<1024xf32>
    %max3A_39 = arith.maximumf %reduce_sum3A_36, %max3A_38 : vector<1024xf32>
    %rsqrt3A_40 = math.rsqrt %max3A_39 : vector<1024xf32>
    %broadcast_in_dim3A_41 = vector.shape_cast %rsqrt3A_40 : vector<1024xf32> to vector<1024x1xf32>
    %mul3A_42 = vector.broadcast %broadcast_in_dim3A_41 : vector<1024x1xf32> to vector<1024x128xf32>
    %mul3A_43 = arith.mulf %select_n3A, %mul3A_42 : vector<1024x128xf32>
    %swap3A = arith.constant 0 : index
    %swap3A_44 = arith.constant 0 : index
    %swap3A_45 = vector.load %arg7[%swap3A, %swap3A_44] : memref<1024x128xf32, #tpu.memory_space<vmem>>, vector<1024x128xf32>
    tpu.vector_store %arg7[%swap3A, %swap3A_44], %mul3A_43 {strides = array<i32>} : memref<1024x128xf32, #tpu.memory_space<vmem>>, vector<1024x128xf32>,
    return
  }
  func.func @transform_0(%arg0: i32) -> (i32, i32, i32) {
    %c0_i32 = arith.constant 0 : i32
    %c0_i32_0 = arith.constant 0 : i32
    %c0_i32_1 = arith.constant 0 : i32
    return %c0_i32, %arg0, %c0_i32_0 : i32, i32, i32
  }
  func.func @transform_1(%arg0: i32) -> (i32, i32) {
    %c0_i32 = arith.constant 0 : i32
    %c0_i32_0 = arith.constant 0 : i32
    return %c0_i32, %arg0 : i32, i32
  }
  func.func @transform_2(%arg0: i32) -> (i32, i32) {
    %c0_i32 = arith.constant 0 : i32
    %c0_i32_0 = arith.constant 0 : i32
    return %c0_i32, %arg0 : i32, i32
  }
  func.func @transform_3(%arg0: i32) -> (i32, i32) {
    %c0_i32 = arith.constant 0 : i32
    %c0_i32_0 = arith.constant 0 : i32
    %c0_i32_1 = arith.constant 0 : i32
    return %c0_i32, %c0_i32_0 : i32, i32
  }
  func.func @transform_4(%arg0: i32) -> i32 {
    %c0_i32 = arith.constant 0 : i32
    %c0_i32_0 = arith.constant 0 : i32
    return %c0_i32 : i32
  }
  func.func @transform_5(%arg0: i32) -> i32 {
    %c0_i32 = arith.constant 0 : i32
    %c0_i32_0 = arith.constant 0 : i32
    return %c0_i32 : i32
  }
  func.func @transform_6(%arg0: i32) -> (i32, i32) {
    %c0_i32 = arith.constant 0 : i32
    %c0_i32_0 = arith.constant 0 : i32
    return %arg0, %c0_i32 : i32, i32
  }
}

module attributes {stable_mosaic.version = 14 : i64} {
  func.func @_dense2_body(%arg0: i32, %arg1: memref<2x1024x128xf32, #tpu.memory_space<vmem>>, %arg2: memref<32x1024xf32, #tpu.memory_space<vmem>>, %arg3: memref<128x128xf32, #tpu.memory_space<vmem>>, %arg4: memref<128xf32, #tpu.memory_space<vmem>>, %arg5: memref<1024x128xf32, #tpu.memory_space<vmem>>) attributes {dimension_semantics = [#tpu.dimension_semantics<arbitrary>], iteration_bounds = array<i64: 10>, scalar_prefetch = 0 : i64, scratch_operands = 0 : i64, tpu.core_type = #tpu.core_type<tc>, window_params = [{transform_indices = @transform_0, window_bounds = array<i64: 2, 1024, 128>}, {transform_indices = @transform_1, window_bounds = array<i64: 32, 1024>}, {pipeline_mode = #tpu.pipeline_mode<synchronous>, transform_indices = @transform_2, window_bounds = array<i64: 128, 128>}, {pipeline_mode = #tpu.pipeline_mode<synchronous>, transform_indices = @transform_3, window_bounds = array<i64: 128>}, {transform_indices = @transform_4, window_bounds = array<i64: 1024, 128>}]} {
    %get3A = arith.constant 0 : index
    %get3A_0 = arith.constant 0 : index
    %get3A_1 = arith.constant 0 : index
    %get3A_2 = vector.load %arg1[%get3A, %get3A_0, %get3A_1] : memref<2x1024x128xf32, #tpu.memory_space<vmem>>, vector<1x1024x128xf32>
    %get3A_3 = vector.shape_cast %get3A_2 : vector<1x1024x128xf32> to vector<1024x128xf32>
    %get3A_4 = arith.constant 1 : index
    %get3A_5 = arith.constant 0 : index
    %get3A_6 = arith.constant 0 : index
    %get3A_7 = vector.load %arg1[%get3A_4, %get3A_5, %get3A_6] : memref<2x1024x128xf32, #tpu.memory_space<vmem>>, vector<1x1024x128xf32>
    %get3A_8 = vector.shape_cast %get3A_7 : vector<1x1024x128xf32> to vector<1024x128xf32>
    %add3A = arith.addf %get3A_3, %get3A_8 : vector<1024x128xf32>
    %get3A_9 = arith.constant 0 : index
    %get3A_10 = arith.constant 0 : index
    %get3A_11 = vector.load %arg2[%get3A_9, %get3A_10] : memref<32x1024xf32, #tpu.memory_space<vmem>>, vector<32x1024xf32>
    %reduce_sum3A = arith.constant dense<0.000000e+00> : vector<1024xf32>
    %reduce_sum3A_12 = vector.multi_reduction <add>, %get3A_11, %reduce_sum3A [0] : vector<32x1024xf32> to vector<1024xf32>
    %max3A = arith.constant 1.000000e+00 : f32
    %max3A_13 = vector.broadcast %max3A : f32 to vector<1024xf32>
    %max3A_14 = arith.maximumf %reduce_sum3A_12, %max3A_13 : vector<1024xf32>
    %rsqrt3A = math.rsqrt %max3A_14 : vector<1024xf32>
    %broadcast_in_dim3A = vector.shape_cast %rsqrt3A : vector<1024xf32> to vector<1024x1xf32>
    %mul3A = vector.broadcast %broadcast_in_dim3A : vector<1024x1xf32> to vector<1024x128xf32>
    %mul3A_15 = arith.mulf %add3A, %mul3A : vector<1024x128xf32>
    %get3A_16 = arith.constant 0 : index
    %get3A_17 = arith.constant 0 : index
    %get3A_18 = vector.load %arg3[%get3A_16, %get3A_17] : memref<128x128xf32, #tpu.memory_space<vmem>>, vector<128x128xf32>
    %dot_general3A = arith.constant dense<0.000000e+00> : vector<1024x128xf32>
    %dot_general3A_19 = tpu.matmul %mul3A_15, %get3A_18, %dot_general3A {dimension_numbers = #tpu.dot_dimension_numbers<[1], [0], [0], [1], [0, 0, 1, 1], [], []>, transpose_lhs_hint = false} : vector<1024x128xf32>, vector<128x128xf32>, vector<1024x128xf32> -> vector<1024x128xf32>
    %get3A_20 = arith.constant 0 : index
    %get3A_21 = vector.load %arg4[%get3A_20] : memref<128xf32, #tpu.memory_space<vmem>>, vector<128xf32>
    %broadcast_in_dim3A_22 = vector.shape_cast %get3A_21 : vector<128xf32> to vector<1x128xf32>
    %add3A_23 = vector.broadcast %broadcast_in_dim3A_22 : vector<1x128xf32> to vector<1024x128xf32>
    %add3A_24 = arith.addf %dot_general3A_19, %add3A_23 : vector<1024x128xf32>
    %swap3A = arith.constant 0 : index
    %swap3A_25 = arith.constant 0 : index
    %swap3A_26 = vector.load %arg5[%swap3A, %swap3A_25] : memref<1024x128xf32, #tpu.memory_space<vmem>>, vector<1024x128xf32>
    tpu.vector_store %arg5[%swap3A, %swap3A_25], %add3A_24 {strides = array<i32>} : memref<1024x128xf32, #tpu.memory_space<vmem>>, vector<1024x128xf32>,
    return
  }
  func.func @transform_0(%arg0: i32) -> (i32, i32, i32) {
    %c0_i32 = arith.constant 0 : i32
    %c0_i32_0 = arith.constant 0 : i32
    %c0_i32_1 = arith.constant 0 : i32
    return %c0_i32, %arg0, %c0_i32_0 : i32, i32, i32
  }
  func.func @transform_1(%arg0: i32) -> (i32, i32) {
    %c0_i32 = arith.constant 0 : i32
    %c0_i32_0 = arith.constant 0 : i32
    return %c0_i32, %arg0 : i32, i32
  }
  func.func @transform_2(%arg0: i32) -> (i32, i32) {
    %c0_i32 = arith.constant 0 : i32
    %c0_i32_0 = arith.constant 0 : i32
    %c0_i32_1 = arith.constant 0 : i32
    return %c0_i32, %c0_i32_0 : i32, i32
  }
  func.func @transform_3(%arg0: i32) -> i32 {
    %c0_i32 = arith.constant 0 : i32
    %c0_i32_0 = arith.constant 0 : i32
    return %c0_i32 : i32
  }
  func.func @transform_4(%arg0: i32) -> (i32, i32) {
    %c0_i32 = arith.constant 0 : i32
    %c0_i32_0 = arith.constant 0 : i32
    return %arg0, %c0_i32 : i32, i32
  }
}

</mosaic_0001>

<sc_bundles>
// kernel: kernel.11.cloned.1.call-start
scs
__scs_entry_jumppad:
0x0: {  	(pc) =	sbr.rel $0x88, $3  }
0x1: {  	(tag) =	ssettag $0x0;
	lr =	simm.s32 $0x1  }
0x2: {  	[smem:$0x3F9A] =	sst lr;
	_ =	strace $0xD0000000  }
0x3: {  	_ = 	snop  }
0x4: {  	_ = 	snop  }
0x5: {  	_ = 	snop  }
0x6: {  	_ = 	snop  }
0x7: {  	_ = 	snop  }
__scs_overlays_trampoline_lowered:
0x8: {  	[smem:$0x3FA9] =	sst s0  }
0x9: {  	[smem:$0x3FAA] =	sst s1  }
0xa: {  	[smem:$0x3FAB] =	sst s2  }
0xb: {  	[smem:$0x3FAC] =	sst s3  }
0xc: {  	[smem:$0x3FAD] =	sst s4  }
0xd: {  	[smem:$0x3FAE] =	sst s5  }
0xe: {  	[smem:$0x3FAF] =	sst s6  }
0xf: {  	[smem:$0x3FB0] =	sst s7  }
0x10: {  	[smem:$0x3FB1] =	sst s8  }
0x11: {  	[smem:$0x3FB2] =	sst s9;
	s0 =	simm.s32 @!p0 $0x0  }
0x12: {  	s1 =	sld [smem:$0x3F98];
	s0 =	simm.s32 @p0 $0x1  }
0x13: {  	[smem:$0x3FB3] =	sst s0;
	s0 =	simm.s32 @!p1 $0x0  }
0x14: {  	s2 =	sld [smem:$0x3F97];
	s0 =	simm.s32 @p1 $0x1  }
0x15: {  	[smem:$0x3FB4] =	sst s0;
	s0 =	simm.s32 @!p2 $0x0  }
0x16: {  	s3 =	sld [smem:$0x3FDB];
	s0 =	simm.s32 @p2 $0x1  }
0x17: {  	s4 =	simm.s32 $0x1BF5;
	[smem:$0x3FB6] =	sst s0  }
0x18: {  	s0 =	sld [smem:$0x3F99];
	_ =	swait.ge [sflag:s4], $0x0  }
0x19: {  	s7 =	sld [smem:$0x3F9A]  }
0x1a: {  	s8 =	sadd.s32 $0xFFFFE003, lr  }
0x1b: {  	s9 =	sadd.s32 $0xFFFFFEF7, lr;
	s5 =	simm.s32 $0xFFFFFFFF;
	p2 =	slt.u32 s8, $0xFFFFF086  }
0x1c: {  	p1 =	slt.u32 s9, $0xF7A;
	s5 =	simm.s32 @!p2 $0x0  }
0x1d: {  	s5 =	simm.s32 @p1 $0x1;
	p0 =	seq.s32 s7, s2  }
0x1e: {  	s7 =	smul.u32 @!p0 $0xF7A, s2;
	p2 =	seq.s32 @!p0 s5, $0x0  }
0x1f: {  	s9 =	smul.u32 $0xF7A, s1;
	s8 =	simm.s32 @!p0 $0x1BF5;
	p2 =	por !p2, p0  }
0x20: {  	[sflag:s8] =	ssyncset.s32 @!p0 $0xFFFFF086;
	s6 =	sadd.s32 @!p0 s3, s7;
	s7 =	simm.s32 @!p0 $0x108  }
0x21: {  	s3 =	sadd.s32 s3, s9;
	s6 =	sadd.s32 @!p0 $0x88, s6;
	s7 =	simm.s32 @p2 $0x1082  }
0x22: {  	[simem:s7], [sflag:s8] =	dma.local @!p0 [hbm:s6], $0xF7A  }
0x23: {  	s9 =	sor.u32 $0xD0000000, s2;
	s6 =	simm.s32 $0x108;
	_ =	swait.ge @!p0 [sflag:s8], $0x0  }
0x24: {  	s3 =	sadd.s32 $0x88, s3;
	s6 =	simm.s32 @!p1 $0x1082;
	[sflag:s4] =	ssyncset.s32 $0xFFFFF086  }
0x25: {  	[simem:s6], [sflag:s4] =	dma.local [hbm:s3], $0xF7A  }
0x26: {  	[smem:$0x3F9A] =	sst s1;
	(tag) =	ssettag s2;
	_ =	strace s9  }
0x27: {  	s1 =	sld [smem:$0x3FAA]  }
0x28: {  	s2 =	sld [smem:$0x3FAB]  }
0x29: {  	s4 =	sld [smem:$0x3FAD]  }
0x2a: {  	p0 =	seq.s32 s5, $0x0;
	s5 =	sld [smem:$0x3FAE]  }
0x2b: {  	s6 =	sld [smem:$0x3FAF]  }
0x2c: {  	s7 =	sld [smem:$0x3FB0]  }
0x2d: {  	s3 =	simm.s32 $0x108;
	s8 =	sld [smem:$0x3FB1]  }
0x2e: {  	s3 =	simm.s32 @!p0 $0x1082;
	s9 =	sld [smem:$0x3FB2]  }
0x2f: {  	lr =	sadd.s32 s0, s3;
	s0 =	sld [smem:$0x3FA9]  }
0x30: {  	s3 =	sld [smem:$0x3FAC]  }
0x31: {  	[smem:$0x3FB5] =	sst s10  }
0x32: {  	s10 =	sld [smem:$0x3FB3];
	_ =	sdelay $0x3  }
0x33: {  	p0 =	seq.s32 s10, $0x1;
	s10 =	sld [smem:$0x3FB5];
	_ =	sdelay $0x3  }
0x34: {  	[smem:$0x3FB5] =	sst s10  }
0x35: {  	s10 =	sld [smem:$0x3FB4];
	_ =	sdelay $0x3  }
0x36: {  	p1 =	seq.s32 s10, $0x1;
	s10 =	sld [smem:$0x3FB5];
	_ =	sdelay $0x3  }
0x37: {  	[smem:$0x3FB5] =	sst s10  }
0x38: {  	s10 =	sld [smem:$0x3FB6]  }
0x39: {  	_ = 	snop;
	(pc) =	sbr.ind lr, $3  }
0x3a: {  	_ = 	snop  }
0x3b: {  	_ = 	snop  }
0x3c: {  	p2 =	seq.s32 s10, $0x1;
	s10 =	sld [smem:$0x3FB5]  }
0x3d: {  	_ =	shalt  }
0x3e: {  	_ =	shalt  }
0x3f: {  	_ =	shalt  }
0x40: {  	_ =	shalt  }
0x41: {  	_ =	shalt  }
0x42: {  	_ =	shalt  }
0x43: {  	_ =	shalt  }
0x44: {  	_ =	shalt  }
0x45: {  	_ =	shalt  }
0x46: {  	_ =	shalt  }
0x47: {  	_ =	shalt  }
0x48: {  	_ =	shalt  }
0x49: {  	_ =	shalt  }
0x4a: {  	_ =	shalt  }
0x4b: {  	_ =	shalt  }
0x4c: {  	_ =	shalt  }
0x4d: {  	_ =	shalt  }
0x4e: {  	_ =	shalt  }
0x4f: {  	_ =	shalt  }
0x50: {  	_ =	shalt  }
0x51: {  	_ =	shalt  }
0x52: {  	_ =	shalt  }
0x53: {  	_ =	shalt  }
0x54: {  	_ =	shalt  }
0x55: {  	_ =	shalt  }
0x56: {  	_ =	shalt  }
0x57: {  	_ =	shalt  }
0x58: {  	_ =	shalt  }
0x59: {  	_ =	shalt  }
0x5a: {  	_ =	shalt  }
0x5b: {  	_ =	shalt  }
0x5c: {  	_ =	shalt  }
0x5d: {  	_ =	shalt  }
0x5e: {  	_ =	shalt  }
0x5f: {  	_ =	shalt  }
0x60: {  	_ =	shalt  }
0x61: {  	_ =	shalt  }
0x62: {  	_ =	shalt  }
0x63: {  	_ =	shalt  }
0x64: {  	_ =	shalt  }
0x65: {  	_ =	shalt  }
0x66: {  	_ =	shalt  }
0x67: {  	_ =	shalt  }
0x68: {  	_ =	shalt  }
0x69: {  	_ =	shalt  }
0x6a: {  	_ =	shalt  }
0x6b: {  	_ =	shalt  }
0x6c: {  	_ =	shalt  }
0x6d: {  	_ =	shalt  }
0x6e: {  	_ =	shalt  }
0x6f: {  	_ =	shalt  }
0x70: {  	_ =	shalt  }
0x71: {  	_ =	shalt  }
0x72: {  	_ =	shalt  }
0x73: {  	_ =	shalt  }
0x74: {  	_ =	shalt  }
0x75: {  	_ =	shalt  }
0x76: {  	_ =	shalt  }
0x77: {  	_ =	shalt  }
0x78: {  	_ =	shalt  }
0x79: {  	_ =	shalt  }
0x7a: {  	_ =	shalt  }
0x7b: {  	_ =	shalt  }
0x7c: {  	_ =	shalt  }
0x7d: {  	_ =	shalt  }
0x7e: {  	_ =	shalt  }
0x7f: {  	_ =	shalt  }
0x80: {  	_ =	shalt  }
0x81: {  	_ =	shalt  }
0x82: {  	_ =	shalt  }
0x83: {  	_ =	shalt  }
0x84: {  	_ =	shalt  }
0x85: {  	_ =	shalt  }
0x86: {  	_ =	shalt  }
0x87: {  	_ =	shalt  }
.Lfunc_end0:
.L_simem_size_0:
called_computation.1_lowered:
.L_overlay_start_0:
0x88: {  	s2 =	sld [smem:$0x3FD9]  }
0x89: {  	s3 =	sld [smem:$0x3FFE];
	_ =	sdelay $0x1  }
0x8a: {  	s1 =	srdreg.scid  }
0x8b: {  	s0 =	sand.u32 $0x1, s1  }
0x8c: {  	s17 =	sshll.u32 s0, $0xA;
	s2 =	sadd.s32 s3, s2  }
0x8d: {  	s2 =	sadd.s32 s2, s17  }
0x8e: {  	[smem:$0x3FC1] =	sst s2  }
0x8f: {  	_ = 	snop  }
0x90: {  	s2 =	sld [smem:$0x3FD0];
	(tm) =	ssettm $0x1  }
0x91: {  	s18 =	sld [smem:$0x3FFB];
	_ =	sdelay $0x3  }
0x92: {  	_ =	strace s18  }
0x93: {  	s3 =	sld [smem:$0x3FFC];
	_ =	sdelay $0x3  }
0x94: {  	_ =	strace s3  }
0x95: {  	s3 =	sld [smem:$0x3FFD];
	_ =	sdelay $0x3  }
0x96: {  	_ =	strace s3  }
0x97: {  	_ =	strace $0x8FFFFFFF  }
0x98: {  	s19 =	sld [smem:$0x3FDB];
	_ =	sdelay $0x1  }
0x99: {  	s4 =	simm.s32 $_scs_section_size  }
0x9a: {  	s5 =	simm.s32 $_size__tile_overlayer_lowered;
	s6 =	simm.s32 $_tile_overlayer_lowered  }
0x9b: {  	s22 =	simm.s32 $0x1BFF;
	s21 =	sshll.u32 s6, $0x1;
	s3 =	sadd.s32 s4, s19  }
0x9c: {  	s7 =	simm.s32 $0x0;
	s20 =	sshll.u32 s5, $0x1;
	s5 =	sadd.s32 s21, s3  }
0x9d: {  	[timem:s7], [sflag:s22] =	dma.local [hbm:s5], s20  }
0x9e: {  	_ =	swait.ge [sflag:s22], s20  }
0x9f: {  	s4 =	ssub.s32 $0x0, s20;
	[sflag:s22] =	ssyncset.done $0x0  }
0xa0: {  	[sflag:s22] =	ssyncadd.s32 s4;
	_ =	sdelay $0x1  }
0xa1: {  	s23 =	simm.s32 $0x1B8B  }
0xa2: {  	_ =	swait.ge [sflag:s23], $0x1  }
0xa3: {  	[sflag:s23] =	ssyncset.done $0x0  }
0xa4: {  	s25 =	simm.s32 $0x1B8E;
	s24 =	sld [smem:$0x3FFE];
	[sflag:s23] =	ssyncadd.s32 $0xFFFFFFFF  }
0xa5: {  	s26 =	simm.s32 $execute0_lowered;
	[smem:$0x3FD2] =	sst s25  }
0xa6: {  	s5 =	sshll.u32 s26, $0x1;
	_ =	strace $0x80000049;
	[dreg:$0x1] =	wrdreg $0xFFFFFFFF  }
0xa7: {  	s28 =	simm.s32 $_size_execute0_lowered;
	s3 =	sadd.s32 s3, s5;
	[dreg:$0x0] =	wrdreg $0x0  }
0xa8: {  	s5 =	sshll.u32 s28, $0x1;
	[dreg:$0x2] =	wrdreg s3  }
0xa9: {  	[dreg:$0x3] =	wrdreg s5  }
0xaa: {  	[dreg:$0x4] =	wrdreg $0xC0  }
0xab: {  	_ =	task [dreg:s7], $0x5FFFF  }
0xac: {  	[dreg:$0x1] =	wrdreg $0xFFFFFFFF  }
0xad: {  	[dreg:$0x0] =	wrdreg $0x60  }
0xae: {  	[dreg:$0x2] =	wrdreg s24  }
0xaf: {  	[dreg:$0x3] =	wrdreg s2  }
0xb0: {  	[dreg:$0x4] =	wrdreg $0x91800  }
0xb1: {  	[dreg:$0x5] =	wrdreg $0x9  }
0xb2: {  	_ =	task.clear_ibuf [dreg:s7], $0x6FFFF;
	_ =	strace $0x90000049  }
0xb3: {  	s29 =	simm.s32 $0x9;
	_ =	strace $0x8000004B  }
0xb4: {  	_ =	swait.ge [sflag:s29], $0x1  }
0xb5: {  	[sflag:s29] =	ssyncadd.s32 $0xFFFFFFFF  }
0xb6: {  	_ =	strace $0x9000004B  }
0xb7: {  	_ =	sfence  }
0xb8: {  	s30 =	sld [smem:$0x0];
	_ =	sdelay $0x2  }
0xb9: {  	s31 =	sshll.u32 s1, $0xD;
	s1 =	sshrl.u32 s1, $0x2  }
0xba: {  	s3 =	sand.u32 $0x4000, s31;
	s1 =	sadd.s32 s1, s30  }
0xbb: {  	s0 =	sor.u32 s3, s0;
	s1 =	sshll.u32 s1, $0x11  }
0xbc: {  	s0 =	sor.u32 s1, s0  }
0xbd: {  	s0 =	sadd.s32 $0x8F2B, s0  }
0xbe: {  	[sflag:s0] =	ssyncadd.remote.s32 $0x1  }
0xbf: {  	_ =	sfence.sel $0xFFFF  }
0xc0: {  	[dreg:$0x0] =	wrdreg $0xFFFFFFFF;
	(pc) =	sbr.abs _section_cstart, $3  }
0xc1: {  	[dreg:$0x1] =	wrdreg $0xFFFFFFFF  }
0xc2: {  	_ =	task.clear_ibuf [dreg:s7], $0x2FFFF;
	_ =	strace $0x9FFFFFFF  }
0xc3: {  	(tm) =	ssettm $0x7FFFFFFF  }
tec
execute0_lowered:
.L_overlay_start_1:
0x0: {  	(tag) =	ssettag $0x1  }
0x1: {  	s6 =	rddreg [dreg:$0x0]  }
0x2: {  	s2 =	rddreg [dreg:$0x1]  }
0x3: {  	s0 =	srdreg.scid;
	s3 =	rddreg [dreg:$0x2]  }
0x4: {  	s1 =	rddreg [dreg:$0x3];
	s4 =	simm.s32 $0x0;
	s15 =	simm.s32 $0x5180  }
0x5: {  	s16 =	simm.s32 $0x2;
	s17 =	simm.s32 $0x4F00;
	s18 =	simm.s32 $0x80  }
0x6: {  	s19 =	simm.s32 $0x4F80;
	s20 =	simm.s32 $0x5000;
	s7 =	sand.u32 $0x1, s0  }
0x7: {  	s21 =	simm.s32 $0x5080;
	s0 =	stileid.u32;
	s8 =	smul.u32 $0x4F0, s7  }
0x8: {  	s22 =	simm.s32 $0x5100;
	s23 =	simm.s32 $0x2780;
	s9 =	smul.u32 $0x4F, s0  }
0x9: {  	s24 =	simm.s32 $0x1;
	s25 =	simm.s32 $0x0;
	s10 =	smul.u32 $0x2800, s7  }
0xa: {  	[smem:$0x7FF] =	sst s4;
	s5 =	sadd.s32 $0x21000, s6;
	s11 =	smul.u32 $0x280, s0  }
0xb: {  	_ =	strace $0x8000004A;
	s30 =	smul.u32 $0x50, s0;
	s7 =	ssub.s32 $0x2, s7  }
0xc: {  	s31 =	sshrl.u32 s7, $0x1;
	s8 =	sadd.s32 s9, s8;
	s10 =	sadd.s32 s11, s10  }
0xd: {  	s9 =	sadd.s32 s30, s6;
	s14 =	ssub.s32 s7, s31;
	s8 =	sshll.u32 s8, $0x4  }
0xe: {  	s10 =	sshll.u32 s10, $0x4;
	s14 =	smax.u32 s14, $0x1;
	s8 =	sadd.s32 s8, s6  }
0xf: {  	s13 =	sadd.s32 s10, s6;
	s6 =	sadd.s32 $0x20A00, s9;
	s7 =	sadd.s32 $0xC600, s8  }
0x10: {  	s8 =	sadd.s32 $0x2800, s8;
	s9 =	sadd.s32 $0x49000, s13;
	s10 =	sadd.s32 $0x49800, s13  }
0x11: {  	s11 =	sadd.s32 $0x4A000, s13;
	s12 =	sadd.s32 $0x4A800, s13;
	s13 =	sadd.s32 $0x4B000, s13  }
.LBB2_1:
0x12: {  	[tilespmem:s15], [sflag:$0x2] =	stream.linear.gather [hbm4b:s2+s4], $0x4000, $0x38;
	[tilespmem:$0xA580] =	vst v63  }
0x13: {  	_ =	swait.ge [sflag:s16], $0x4000  }
0x14: {  	[sflag:s16] =	ssyncset.done $0x0  }
0x15: {  	[sflag:s16] =	ssyncadd.s32 $0xFFFFC000  }
0x16: {  	[tilespmem:s17], [sflag:$0x2] =	stream.linear.gather [hbm4b:s6+s4], $0x280, $0x38;
	[tilespmem:$0xA580] =	vst v63  }
0x17: {  	_ =	swait.ge [sflag:s16], $0x280  }
0x18: {  	[sflag:s16] =	ssyncset.done $0x0  }
0x19: {  	[sflag:s16] =	ssyncadd.s32 $0xFFFFFD80  }
0x1a: {  	[spmem:s3] =	stream.indirect.scatter [tilespmem:s15], [sflag:$0x2], $0x80, s17, s18, $0xb8;
	[tilespmem:$0xA580] =	vst v63  }
0x1b: {  	_ =	swait.ge [sflag:s16], $0x4000  }
0x1c: {  	[sflag:s16] =	ssyncset.done $0x0  }
0x1d: {  	[sflag:s16] =	ssyncadd.s32 $0xFFFFC000  }
0x1e: {  	[spmem:s3] =	stream.indirect.scatter [tilespmem:s15], [sflag:$0x2], $0x80, s19, s18, $0xb8;
	[tilespmem:$0xA580] =	vst v63  }
0x1f: {  	_ =	swait.ge [sflag:s16], $0x4000  }
0x20: {  	[sflag:s16] =	ssyncset.done $0x0  }
0x21: {  	[sflag:s16] =	ssyncadd.s32 $0xFFFFC000  }
0x22: {  	[spmem:s3] =	stream.indirect.scatter [tilespmem:s15], [sflag:$0x2], $0x80, s20, s18, $0xb8;
	[tilespmem:$0xA580] =	vst v63  }
0x23: {  	_ =	swait.ge [sflag:s16], $0x4000  }
0x24: {  	[sflag:s16] =	ssyncset.done $0x0  }
0x25: {  	[sflag:s16] =	ssyncadd.s32 $0xFFFFC000  }
0x26: {  	[spmem:s3] =	stream.indirect.scatter [tilespmem:s15], [sflag:$0x2], $0x80, s21, s18, $0xb8;
	[tilespmem:$0xA580] =	vst v63  }
0x27: {  	_ =	swait.ge [sflag:s16], $0x4000  }
0x28: {  	[sflag:s16] =	ssyncset.done $0x0  }
0x29: {  	[sflag:s16] =	ssyncadd.s32 $0xFFFFC000  }
0x2a: {  	[spmem:s3] =	stream.indirect.scatter [tilespmem:s15], [sflag:$0x2], $0x80, s22, s18, $0xb8;
	[tilespmem:$0xA580] =	vst v63  }
0x2b: {  	_ =	swait.ge [sflag:s16], $0x4000  }
0x2c: {  	[sflag:s16] =	ssyncset.done $0x0  }
0x2d: {  	[sflag:s16] =	ssyncadd.s32 $0xFFFFC000  }
0x2e: {  	[tilespmem:s4], [sflag:$0x2] =	stream.linear.gather [hbm4b:s7+s4], $0x2780, $0x38;
	[tilespmem:$0xA580] =	vst v63  }
0x2f: {  	_ =	swait.ge [sflag:s16], $0x2780  }
0x30: {  	[sflag:s16] =	ssyncset.done $0x0  }
0x31: {  	[sflag:s16] =	ssyncadd.s32 $0xFFFFD880  }
0x32: {  	[tilespmem:s23], [sflag:$0x2] =	stream.linear.gather [hbm4b:s8+s4], $0x2780, $0x38;
	[tilespmem:$0xA580] =	vst v63  }
0x33: {  	_ =	swait.ge [sflag:s16], $0x2780  }
0x34: {  	[sflag:s16] =	ssyncset.done $0x0  }
0x35: {  	[sflag:s16] =	ssyncadd.s32 $0xFFFFD880  }
0x36: {  	s26 =	simm.s32 $0x0;
	[bflag:$0x0] =	sbarrier.arrive $0xFFFF  }
0x37: {  	[tilespmem:s15], [sflag:$0x1] =	stream.indirect.gather [hbm4b:s5+s18], $0x80, s26, s18, $0xb8;
	[tilespmem:$0xA580] =	vst v63  }
0x38: {  	_ =	swait.ge [sflag:s24], $0x4000  }
0x39: {  	[sflag:s24] =	ssyncset.done $0x0  }
0x3a: {  	s31 =	simm.s32 $0x2780;
	[sflag:s24] =	ssyncadd.s32 $0xFFFFC000  }
0x3b: {  	[spmem:s3] =	stream.indirect.scatter.add.f32 [tilespmem:s15], [sflag:$0x2], $0x80, s31, s18, $0xb8;
	[tilespmem:$0xA580] =	vst v63  }
0x3c: {  	_ =	swait.ge [sflag:s16], $0x4000  }
0x3d: {  	s28 =	simm.s32 $0x400;
	s26 =	simm.s32 $0x200;
	[sflag:s16] =	ssyncset.done $0x0  }
.LBB2_2:
0x3e: {  	s29 =	sshra.s32 s26, $0x2  }
0x3f: {  	[sflag:s16] =	ssyncadd.s32 $0xFFFFC000;
	s26 =	smov.u32 s28;
	s30 =	sadd.s32 $0x200, s28  }
0x40: {  	[tilespmem:s15], [sflag:$0x1] =	stream.indirect.gather [hbm4b:s5+s18], $0x80, s29, s18, $0xb8;
	[tilespmem:$0xA580] =	vst v63  }
0x41: {  	p0 =	sne.s32 s28, $0x9C00;
	_ =	swait.ge [sflag:s24], $0x4000  }
.Ltmp0:
0x42: {  	[sflag:s24] =	ssyncset.done $0x0;
	(pc) =	sbr.rel @p0 .LBB2_2-.Ltmp0, $4  }
0x43: {  	s28 =	sadd.s32 $0x2780, s29;
	[sflag:s24] =	ssyncadd.s32 $0xFFFFC000  }
0x44: {  	[spmem:s3] =	stream.indirect.scatter.add.f32 [tilespmem:s15], [sflag:$0x2], $0x80, s28, s18, $0xb8;
	[tilespmem:$0xA580] =	vst v63  }
0x45: {  	_ =	swait.ge [sflag:s16], $0x4000  }
0x46: {  	s28 =	smov.u32 s30;
	[sflag:s16] =	ssyncset.done $0x0  }
0x47: {  	s26 =	sshra.s32 s26, $0x2;
	[sflag:s16] =	ssyncadd.s32 $0xFFFFC000  }
0x48: {  	[tilespmem:s15], [sflag:$0x1] =	stream.indirect.gather [hbm4b:s5+s18], $0x80, s26, s18, $0xb8;
	[tilespmem:$0xA580] =	vst v63  }
0x49: {  	_ =	swait.ge [sflag:s24], $0x4000  }
0x4a: {  	[sflag:s24] =	ssyncset.done $0x0  }
0x4b: {  	s26 =	sadd.s32 $0x2780, s26;
	[sflag:s24] =	ssyncadd.s32 $0xFFFFC000  }
0x4c: {  	[spmem:s3] =	stream.indirect.scatter.add.f32 [tilespmem:s15], [sflag:$0x2], $0x80, s26, s18, $0xb8;
	[tilespmem:$0xA580] =	vst v63  }
0x4d: {  	_ =	swait.ge [sflag:s16], $0x4000  }
0x4e: {  	[sflag:s16] =	ssyncset.done $0x0  }
0x4f: {  	[sflag:s16] =	ssyncadd.s32 $0xFFFFC000  }
0x50: {  	[bflag:$0x0] =	sbarrier.arrive $0xFFFF  }
0x51: {  	[tilespmem:s15], [sflag:$0x1] =	stream.indirect.gather [spmem:s3], $0x80, s17, s18, $0xb8;
	[tilespmem:$0xA580] =	vst v63  }
0x52: {  	_ =	swait.ge [sflag:s24], $0x4000  }
0x53: {  	[sflag:s24] =	ssyncset.done $0x0  }
0x54: {  	[sflag:s24] =	ssyncadd.s32 $0xFFFFC000  }
0x55: {  	[hbm4b:s9+s4] =	stream.linear.scatter [tilespmem:s15], [sflag:$0x2], $0x4000, $0x38;
	[tilespmem:$0xA580] =	vst v63  }
0x56: {  	_ =	swait.ge [sflag:s16], $0x4000  }
0x57: {  	[sflag:s16] =	ssyncset.done $0x0  }
0x58: {  	[sflag:s16] =	ssyncadd.s32 $0xFFFFC000  }
0x59: {  	[tilespmem:s15], [sflag:$0x1] =	stream.indirect.gather [spmem:s3], $0x80, s19, s18, $0xb8;
	[tilespmem:$0xA580] =	vst v63  }
0x5a: {  	_ =	swait.ge [sflag:s24], $0x4000  }
0x5b: {  	[sflag:s24] =	ssyncset.done $0x0  }
0x5c: {  	[sflag:s24] =	ssyncadd.s32 $0xFFFFC000  }
0x5d: {  	[hbm4b:s10+s4] =	stream.linear.scatter [tilespmem:s15], [sflag:$0x2], $0x4000, $0x38;
	[tilespmem:$0xA580] =	vst v63  }
0x5e: {  	_ =	swait.ge [sflag:s16], $0x4000  }
0x5f: {  	[sflag:s16] =	ssyncset.done $0x0  }
0x60: {  	[sflag:s16] =	ssyncadd.s32 $0xFFFFC000  }
0x61: {  	[tilespmem:s15], [sflag:$0x1] =	stream.indirect.gather [spmem:s3], $0x80, s20, s18, $0xb8;
	[tilespmem:$0xA580] =	vst v63  }
0x62: {  	_ =	swait.ge [sflag:s24], $0x4000  }
0x63: {  	[sflag:s24] =	ssyncset.done $0x0  }
0x64: {  	[sflag:s24] =	ssyncadd.s32 $0xFFFFC000  }
0x65: {  	[hbm4b:s11+s4] =	stream.linear.scatter [tilespmem:s15], [sflag:$0x2], $0x4000, $0x38;
	[tilespmem:$0xA580] =	vst v63  }
0x66: {  	_ =	swait.ge [sflag:s16], $0x4000  }
0x67: {  	[sflag:s16] =	ssyncset.done $0x0  }
0x68: {  	[sflag:s16] =	ssyncadd.s32 $0xFFFFC000  }
0x69: {  	[tilespmem:s15], [sflag:$0x1] =	stream.indirect.gather [spmem:s3], $0x80, s21, s18, $0xb8;
	[tilespmem:$0xA580] =	vst v63  }
0x6a: {  	_ =	swait.ge [sflag:s24], $0x4000  }
0x6b: {  	[sflag:s24] =	ssyncset.done $0x0  }
0x6c: {  	[sflag:s24] =	ssyncadd.s32 $0xFFFFC000  }
0x6d: {  	[hbm4b:s12+s4] =	stream.linear.scatter [tilespmem:s15], [sflag:$0x2], $0x4000, $0x38;
	[tilespmem:$0xA580] =	vst v63  }
0x6e: {  	_ =	swait.ge [sflag:s16], $0x4000  }
0x6f: {  	[sflag:s16] =	ssyncset.done $0x0  }
0x70: {  	[sflag:s16] =	ssyncadd.s32 $0xFFFFC000  }
0x71: {  	[tilespmem:s15], [sflag:$0x1] =	stream.indirect.gather [spmem:s3], $0x80, s22, s18, $0xb8;
	[tilespmem:$0xA580] =	vst v63  }
0x72: {  	s25 =	sadd.s32 $0x1, s25;
	_ =	swait.ge [sflag:s24], $0x4000  }
0x73: {  	p0 =	sne.s32 s25, s14;
	[sflag:s24] =	ssyncset.done $0x0  }
.Ltmp1:
0x74: {  	[sflag:s24] =	ssyncadd.s32 $0xFFFFC000;
	(pc) =	sbr.rel @p0 .LBB2_1-.Ltmp1, $4  }
0x75: {  	[hbm4b:s13+s4] =	stream.linear.scatter [tilespmem:s15], [sflag:$0x2], $0x4000, $0x38;
	[tilespmem:$0xA580] =	vst v63  }
0x76: {  	_ =	swait.ge [sflag:s16], $0x4000  }
0x77: {  	[sflag:s16] =	ssyncset.done $0x0  }
0x78: {  	[sflag:s16] =	ssyncadd.s32 $0xFFFFC000  }
0x79: {  	_ =	sfence.sel $0x180000  }
0x7a: {  	[bflag:$0x0] =	sbarrier.arrive $0xFFFF  }
0x7b: {  	p0 =	sne.s32 s0, $0x0;
	_ =	strace $0x9000004A  }
0x7c: {  	s0 =	sadd.s32 @!p0 $0x100000, s1;
	[bflag:$0x2] =	sbarrier.arrive $0xFFFF  }
0x7d: {  	[sflag:s0] =	ssyncadd.tile.s32 @!p0 $0x1;
	_ =	shalt  }
.Lfunc_end2:
_tile_overlayer_lowered:
.L_overlay_start_2:
0x7e: {  	(tag) =	ssettag $0x2  }
0x7f: {  	s0 =	rddreg [dreg:$0x0];
	s2 =	stileid.u32  }
0x80: {  	s1 =	rddreg [dreg:$0x1];
	p0 =	sne.s32 s2, $0x0  }
0x81: {  	s3 =	rddreg [dreg:$0x2];
	[bflag:$0x3] =	sbarrier.arrive $0xFFFF;
	s2 =	simm.s32 @!p0 $0x1C02  }
0x82: {  	[timem:s3], [sflag:s2] =	dma.local @!p0 [hbm:s0], s1  }
0x83: {  	s0 =	simm.s32 @!p0 $0x2  }
0x84: {  	_ =	swait.ge @!p0 [sflag:s0], s1  }
0x85: {  	s1 =	ssub.s32 @!p0 $0x0, s1;
	[sflag:s0] =	ssyncset.done @!p0 $0x0  }
0x86: {  	[sflag:s0] =	ssyncadd.s32 @!p0 s1  }
0x87: {  	[bflag:$0x3] =	sbarrier.arrive $0xFFFF  }
0x88: {  	_ =	shalt  }

// kernel: kernel.14.cloned.1.call-start
scs
__scs_entry_jumppad:
0x0: {  	(pc) =	sbr.rel $0x88, $3  }
0x1: {  	(tag) =	ssettag $0x0;
	lr =	simm.s32 $0x1  }
0x2: {  	[smem:$0x3F9A] =	sst lr;
	_ =	strace $0xD0000000  }
0x3: {  	_ = 	snop  }
0x4: {  	_ = 	snop  }
0x5: {  	_ = 	snop  }
0x6: {  	_ = 	snop  }
0x7: {  	_ = 	snop  }
__scs_overlays_trampoline_lowered:
0x8: {  	[smem:$0x3FA9] =	sst s0  }
0x9: {  	[smem:$0x3FAA] =	sst s1  }
0xa: {  	[smem:$0x3FAB] =	sst s2  }
0xb: {  	[smem:$0x3FAC] =	sst s3  }
0xc: {  	[smem:$0x3FAD] =	sst s4  }
0xd: {  	[smem:$0x3FAE] =	sst s5  }
0xe: {  	[smem:$0x3FAF] =	sst s6  }
0xf: {  	[smem:$0x3FB0] =	sst s7  }
0x10: {  	[smem:$0x3FB1] =	sst s8  }
0x11: {  	[smem:$0x3FB2] =	sst s9;
	s0 =	simm.s32 @!p0 $0x0  }
0x12: {  	s1 =	sld [smem:$0x3F98];
	s0 =	simm.s32 @p0 $0x1  }
0x13: {  	[smem:$0x3FB3] =	sst s0;
	s0 =	simm.s32 @!p1 $0x0  }
0x14: {  	s2 =	sld [smem:$0x3F97];
	s0 =	simm.s32 @p1 $0x1  }
0x15: {  	[smem:$0x3FB4] =	sst s0;
	s0 =	simm.s32 @!p2 $0x0  }
0x16: {  	s3 =	sld [smem:$0x3FDB];
	s0 =	simm.s32 @p2 $0x1  }
0x17: {  	s4 =	simm.s32 $0x1BF5;
	[smem:$0x3FB6] =	sst s0  }
0x18: {  	s0 =	sld [smem:$0x3F99];
	_ =	swait.ge [sflag:s4], $0x0  }
0x19: {  	s7 =	sld [smem:$0x3F9A]  }
0x1a: {  	s8 =	sadd.s32 $0xFFFFE003, lr  }
0x1b: {  	s9 =	sadd.s32 $0xFFFFFEF7, lr;
	s5 =	simm.s32 $0xFFFFFFFF;
	p2 =	slt.u32 s8, $0xFFFFF086  }
0x1c: {  	p1 =	slt.u32 s9, $0xF7A;
	s5 =	simm.s32 @!p2 $0x0  }
0x1d: {  	s5 =	simm.s32 @p1 $0x1;
	p0 =	seq.s32 s7, s2  }
0x1e: {  	s7 =	smul.u32 @!p0 $0xF7A, s2;
	p2 =	seq.s32 @!p0 s5, $0x0  }
0x1f: {  	s9 =	smul.u32 $0xF7A, s1;
	s8 =	simm.s32 @!p0 $0x1BF5;
	p2 =	por !p2, p0  }
0x20: {  	[sflag:s8] =	ssyncset.s32 @!p0 $0xFFFFF086;
	s6 =	sadd.s32 @!p0 s3, s7;
	s7 =	simm.s32 @!p0 $0x108  }
0x21: {  	s3 =	sadd.s32 s3, s9;
	s6 =	sadd.s32 @!p0 $0x88, s6;
	s7 =	simm.s32 @p2 $0x1082  }
0x22: {  	[simem:s7], [sflag:s8] =	dma.local @!p0 [hbm:s6], $0xF7A  }
0x23: {  	s9 =	sor.u32 $0xD0000000, s2;
	s6 =	simm.s32 $0x108;
	_ =	swait.ge @!p0 [sflag:s8], $0x0  }
0x24: {  	s3 =	sadd.s32 $0x88, s3;
	s6 =	simm.s32 @!p1 $0x1082;
	[sflag:s4] =	ssyncset.s32 $0xFFFFF086  }
0x25: {  	[simem:s6], [sflag:s4] =	dma.local [hbm:s3], $0xF7A  }
0x26: {  	[smem:$0x3F9A] =	sst s1;
	(tag) =	ssettag s2;
	_ =	strace s9  }
0x27: {  	s1 =	sld [smem:$0x3FAA]  }
0x28: {  	s2 =	sld [smem:$0x3FAB]  }
0x29: {  	s4 =	sld [smem:$0x3FAD]  }
0x2a: {  	p0 =	seq.s32 s5, $0x0;
	s5 =	sld [smem:$0x3FAE]  }
0x2b: {  	s6 =	sld [smem:$0x3FAF]  }
0x2c: {  	s7 =	sld [smem:$0x3FB0]  }
0x2d: {  	s3 =	simm.s32 $0x108;
	s8 =	sld [smem:$0x3FB1]  }
0x2e: {  	s3 =	simm.s32 @!p0 $0x1082;
	s9 =	sld [smem:$0x3FB2]  }
0x2f: {  	lr =	sadd.s32 s0, s3;
	s0 =	sld [smem:$0x3FA9]  }
0x30: {  	s3 =	sld [smem:$0x3FAC]  }
0x31: {  	[smem:$0x3FB5] =	sst s10  }
0x32: {  	s10 =	sld [smem:$0x3FB3];
	_ =	sdelay $0x3  }
0x33: {  	p0 =	seq.s32 s10, $0x1;
	s10 =	sld [smem:$0x3FB5];
	_ =	sdelay $0x3  }
0x34: {  	[smem:$0x3FB5] =	sst s10  }
0x35: {  	s10 =	sld [smem:$0x3FB4];
	_ =	sdelay $0x3  }
0x36: {  	p1 =	seq.s32 s10, $0x1;
	s10 =	sld [smem:$0x3FB5];
	_ =	sdelay $0x3  }
0x37: {  	[smem:$0x3FB5] =	sst s10  }
0x38: {  	s10 =	sld [smem:$0x3FB6]  }
0x39: {  	_ = 	snop;
	(pc) =	sbr.ind lr, $3  }
0x3a: {  	_ = 	snop  }
0x3b: {  	_ = 	snop  }
0x3c: {  	p2 =	seq.s32 s10, $0x1;
	s10 =	sld [smem:$0x3FB5]  }
0x3d: {  	_ =	shalt  }
0x3e: {  	_ =	shalt  }
0x3f: {  	_ =	shalt  }
0x40: {  	_ =	shalt  }
0x41: {  	_ =	shalt  }
0x42: {  	_ =	shalt  }
0x43: {  	_ =	shalt  }
0x44: {  	_ =	shalt  }
0x45: {  	_ =	shalt  }
0x46: {  	_ =	shalt  }
0x47: {  	_ =	shalt  }
0x48: {  	_ =	shalt  }
0x49: {  	_ =	shalt  }
0x4a: {  	_ =	shalt  }
0x4b: {  	_ =	shalt  }
0x4c: {  	_ =	shalt  }
0x4d: {  	_ =	shalt  }
0x4e: {  	_ =	shalt  }
0x4f: {  	_ =	shalt  }
0x50: {  	_ =	shalt  }
0x51: {  	_ =	shalt  }
0x52: {  	_ =	shalt  }
0x53: {  	_ =	shalt  }
0x54: {  	_ =	shalt  }
0x55: {  	_ =	shalt  }
0x56: {  	_ =	shalt  }
0x57: {  	_ =	shalt  }
0x58: {  	_ =	shalt  }
0x59: {  	_ =	shalt  }
0x5a: {  	_ =	shalt  }
0x5b: {  	_ =	shalt  }
0x5c: {  	_ =	shalt  }
0x5d: {  	_ =	shalt  }
0x5e: {  	_ =	shalt  }
0x5f: {  	_ =	shalt  }
0x60: {  	_ =	shalt  }
0x61: {  	_ =	shalt  }
0x62: {  	_ =	shalt  }
0x63: {  	_ =	shalt  }
0x64: {  	_ =	shalt  }
0x65: {  	_ =	shalt  }
0x66: {  	_ =	shalt  }
0x67: {  	_ =	shalt  }
0x68: {  	_ =	shalt  }
0x69: {  	_ =	shalt  }
0x6a: {  	_ =	shalt  }
0x6b: {  	_ =	shalt  }
0x6c: {  	_ =	shalt  }
0x6d: {  	_ =	shalt  }
0x6e: {  	_ =	shalt  }
0x6f: {  	_ =	shalt  }
0x70: {  	_ =	shalt  }
0x71: {  	_ =	shalt  }
0x72: {  	_ =	shalt  }
0x73: {  	_ =	shalt  }
0x74: {  	_ =	shalt  }
0x75: {  	_ =	shalt  }
0x76: {  	_ =	shalt  }
0x77: {  	_ =	shalt  }
0x78: {  	_ =	shalt  }
0x79: {  	_ =	shalt  }
0x7a: {  	_ =	shalt  }
0x7b: {  	_ =	shalt  }
0x7c: {  	_ =	shalt  }
0x7d: {  	_ =	shalt  }
0x7e: {  	_ =	shalt  }
0x7f: {  	_ =	shalt  }
0x80: {  	_ =	shalt  }
0x81: {  	_ =	shalt  }
0x82: {  	_ =	shalt  }
0x83: {  	_ =	shalt  }
0x84: {  	_ =	shalt  }
0x85: {  	_ =	shalt  }
0x86: {  	_ =	shalt  }
0x87: {  	_ =	shalt  }
.Lfunc_end0:
.L_simem_size_0:
called_computation.2_lowered:
.L_overlay_start_0:
0x88: {  	s2 =	sld [smem:$0x3FD9]  }
0x89: {  	s3 =	sld [smem:$0x3FFE];
	_ =	sdelay $0x1  }
0x8a: {  	s1 =	srdreg.scid  }
0x8b: {  	s0 =	sand.u32 $0x1, s1  }
0x8c: {  	s17 =	sshll.u32 s0, $0xA;
	s2 =	sadd.s32 s3, s2  }
0x8d: {  	s2 =	sadd.s32 s2, s17  }
0x8e: {  	[smem:$0x3FC1] =	sst s2  }
0x8f: {  	_ = 	snop  }
0x90: {  	s2 =	sld [smem:$0x3FD0];
	(tm) =	ssettm $0x1  }
0x91: {  	s18 =	sld [smem:$0x3FFB];
	_ =	sdelay $0x3  }
0x92: {  	_ =	strace s18  }
0x93: {  	s3 =	sld [smem:$0x3FFC];
	_ =	sdelay $0x3  }
0x94: {  	_ =	strace s3  }
0x95: {  	s3 =	sld [smem:$0x3FFD];
	_ =	sdelay $0x3  }
0x96: {  	_ =	strace s3  }
0x97: {  	_ =	strace $0x8FFFFFFF  }
0x98: {  	s19 =	sld [smem:$0x3FDB];
	_ =	sdelay $0x1  }
0x99: {  	s4 =	simm.s32 $_scs_section_size  }
0x9a: {  	s5 =	simm.s32 $_size__tile_overlayer_lowered;
	s6 =	simm.s32 $_tile_overlayer_lowered  }
0x9b: {  	s22 =	simm.s32 $0x1BFF;
	s21 =	sshll.u32 s6, $0x1;
	s3 =	sadd.s32 s4, s19  }
0x9c: {  	s7 =	simm.s32 $0x0;
	s20 =	sshll.u32 s5, $0x1;
	s5 =	sadd.s32 s21, s3  }
0x9d: {  	[timem:s7], [sflag:s22] =	dma.local [hbm:s5], s20  }
0x9e: {  	_ =	swait.ge [sflag:s22], s20  }
0x9f: {  	s4 =	ssub.s32 $0x0, s20;
	[sflag:s22] =	ssyncset.done $0x0  }
0xa0: {  	[sflag:s22] =	ssyncadd.s32 s4;
	_ =	sdelay $0x1  }
0xa1: {  	s23 =	simm.s32 $0x1B8B  }
0xa2: {  	_ =	swait.ge [sflag:s23], $0x1  }
0xa3: {  	[sflag:s23] =	ssyncset.done $0x0  }
0xa4: {  	s25 =	simm.s32 $0x1B8E;
	s24 =	sld [smem:$0x3FFE];
	[sflag:s23] =	ssyncadd.s32 $0xFFFFFFFF  }
0xa5: {  	s26 =	simm.s32 $execute0_lowered;
	[smem:$0x3FD2] =	sst s25  }
0xa6: {  	s5 =	sshll.u32 s26, $0x1;
	_ =	strace $0x8000004C;
	[dreg:$0x1] =	wrdreg $0xFFFFFFFF  }
0xa7: {  	s28 =	simm.s32 $_size_execute0_lowered;
	s3 =	sadd.s32 s3, s5;
	[dreg:$0x0] =	wrdreg $0x0  }
0xa8: {  	s5 =	sshll.u32 s28, $0x1;
	[dreg:$0x2] =	wrdreg s3  }
0xa9: {  	[dreg:$0x3] =	wrdreg s5  }
0xaa: {  	[dreg:$0x4] =	wrdreg $0xC0  }
0xab: {  	_ =	task [dreg:s7], $0x5FFFF  }
0xac: {  	[dreg:$0x1] =	wrdreg $0xFFFFFFFF  }
0xad: {  	[dreg:$0x0] =	wrdreg $0x60  }
0xae: {  	[dreg:$0x2] =	wrdreg s24  }
0xaf: {  	[dreg:$0x3] =	wrdreg s2  }
0xb0: {  	[dreg:$0x4] =	wrdreg $0x91800  }
0xb1: {  	[dreg:$0x5] =	wrdreg $0x9  }
0xb2: {  	_ =	task.clear_ibuf [dreg:s7], $0x6FFFF;
	_ =	strace $0x9000004C  }
0xb3: {  	s29 =	simm.s32 $0x9;
	_ =	strace $0x8000004E  }
0xb4: {  	_ =	swait.ge [sflag:s29], $0x1  }
0xb5: {  	[sflag:s29] =	ssyncadd.s32 $0xFFFFFFFF  }
0xb6: {  	_ =	strace $0x9000004E  }
0xb7: {  	_ =	sfence  }
0xb8: {  	s30 =	sld [smem:$0x0];
	_ =	sdelay $0x2  }
0xb9: {  	s31 =	sshll.u32 s1, $0xD;
	s1 =	sshrl.u32 s1, $0x2  }
0xba: {  	s3 =	sand.u32 $0x4000, s31;
	s1 =	sadd.s32 s1, s30  }
0xbb: {  	s0 =	sor.u32 s3, s0;
	s1 =	sshll.u32 s1, $0x11  }
0xbc: {  	s0 =	sor.u32 s1, s0  }
0xbd: {  	s0 =	sadd.s32 $0x8F2B, s0  }
0xbe: {  	[sflag:s0] =	ssyncadd.remote.s32 $0x1  }
0xbf: {  	_ =	sfence.sel $0xFFFF  }
0xc0: {  	[dreg:$0x0] =	wrdreg $0xFFFFFFFF;
	(pc) =	sbr.abs _section_cstart, $3  }
0xc1: {  	[dreg:$0x1] =	wrdreg $0xFFFFFFFF  }
0xc2: {  	_ =	task.clear_ibuf [dreg:s7], $0x2FFFF;
	_ =	strace $0x9FFFFFFF  }
0xc3: {  	(tm) =	ssettm $0x7FFFFFFF  }
tec
execute0_lowered:
.L_overlay_start_1:
0x0: {  	(tag) =	ssettag $0x1  }
0x1: {  	s6 =	rddreg [dreg:$0x0]  }
0x2: {  	s2 =	rddreg [dreg:$0x1]  }
0x3: {  	s0 =	srdreg.scid;
	s3 =	rddreg [dreg:$0x2]  }
0x4: {  	s1 =	rddreg [dreg:$0x3];
	s4 =	simm.s32 $0x0;
	s15 =	simm.s32 $0x5180  }
0x5: {  	s16 =	simm.s32 $0x2;
	s17 =	simm.s32 $0x4F00;
	s18 =	simm.s32 $0x80  }
0x6: {  	s19 =	simm.s32 $0x4F80;
	s20 =	simm.s32 $0x5000;
	s7 =	sand.u32 $0x1, s0  }
0x7: {  	s21 =	simm.s32 $0x5080;
	s0 =	stileid.u32;
	s8 =	smul.u32 $0x4F0, s7  }
0x8: {  	s22 =	simm.s32 $0x5100;
	s23 =	simm.s32 $0x2780;
	s9 =	smul.u32 $0x4F, s0  }
0x9: {  	s24 =	simm.s32 $0x1;
	s25 =	simm.s32 $0x0;
	s10 =	smul.u32 $0x2800, s7  }
0xa: {  	[smem:$0x7FF] =	sst s4;
	s5 =	sadd.s32 $0x21000, s6;
	s11 =	smul.u32 $0x280, s0  }
0xb: {  	_ =	strace $0x8000004D;
	s30 =	smul.u32 $0x50, s0;
	s7 =	ssub.s32 $0x2, s7  }
0xc: {  	s31 =	sshrl.u32 s7, $0x1;
	s8 =	sadd.s32 s9, s8;
	s10 =	sadd.s32 s11, s10  }
0xd: {  	s9 =	sadd.s32 s30, s6;
	s14 =	ssub.s32 s7, s31;
	s8 =	sshll.u32 s8, $0x4  }
0xe: {  	s10 =	sshll.u32 s10, $0x4;
	s14 =	smax.u32 s14, $0x1;
	s8 =	sadd.s32 s8, s6  }
0xf: {  	s13 =	sadd.s32 s10, s6;
	s6 =	sadd.s32 $0x20A00, s9;
	s7 =	sadd.s32 $0xC600, s8  }
0x10: {  	s8 =	sadd.s32 $0x2800, s8;
	s9 =	sadd.s32 $0x49000, s13;
	s10 =	sadd.s32 $0x49800, s13  }
0x11: {  	s11 =	sadd.s32 $0x4A000, s13;
	s12 =	sadd.s32 $0x4A800, s13;
	s13 =	sadd.s32 $0x4B000, s13  }
.LBB2_1:
0x12: {  	[tilespmem:s15], [sflag:$0x2] =	stream.linear.gather [hbm4b:s2+s4], $0x4000, $0x38;
	[tilespmem:$0xA580] =	vst v63  }
0x13: {  	_ =	swait.ge [sflag:s16], $0x4000  }
0x14: {  	[sflag:s16] =	ssyncset.done $0x0  }
0x15: {  	[sflag:s16] =	ssyncadd.s32 $0xFFFFC000  }
0x16: {  	[tilespmem:s17], [sflag:$0x2] =	stream.linear.gather [hbm4b:s6+s4], $0x280, $0x38;
	[tilespmem:$0xA580] =	vst v63  }
0x17: {  	_ =	swait.ge [sflag:s16], $0x280  }
0x18: {  	[sflag:s16] =	ssyncset.done $0x0  }
0x19: {  	[sflag:s16] =	ssyncadd.s32 $0xFFFFFD80  }
0x1a: {  	[spmem:s3] =	stream.indirect.scatter [tilespmem:s15], [sflag:$0x2], $0x80, s17, s18, $0xb8;
	[tilespmem:$0xA580] =	vst v63  }
0x1b: {  	_ =	swait.ge [sflag:s16], $0x4000  }
0x1c: {  	[sflag:s16] =	ssyncset.done $0x0  }
0x1d: {  	[sflag:s16] =	ssyncadd.s32 $0xFFFFC000  }
0x1e: {  	[spmem:s3] =	stream.indirect.scatter [tilespmem:s15], [sflag:$0x2], $0x80, s19, s18, $0xb8;
	[tilespmem:$0xA580] =	vst v63  }
0x1f: {  	_ =	swait.ge [sflag:s16], $0x4000  }
0x20: {  	[sflag:s16] =	ssyncset.done $0x0  }
0x21: {  	[sflag:s16] =	ssyncadd.s32 $0xFFFFC000  }
0x22: {  	[spmem:s3] =	stream.indirect.scatter [tilespmem:s15], [sflag:$0x2], $0x80, s20, s18, $0xb8;
	[tilespmem:$0xA580] =	vst v63  }
0x23: {  	_ =	swait.ge [sflag:s16], $0x4000  }
0x24: {  	[sflag:s16] =	ssyncset.done $0x0  }
0x25: {  	[sflag:s16] =	ssyncadd.s32 $0xFFFFC000  }
0x26: {  	[spmem:s3] =	stream.indirect.scatter [tilespmem:s15], [sflag:$0x2], $0x80, s21, s18, $0xb8;
	[tilespmem:$0xA580] =	vst v63  }
0x27: {  	_ =	swait.ge [sflag:s16], $0x4000  }
0x28: {  	[sflag:s16] =	ssyncset.done $0x0  }
0x29: {  	[sflag:s16] =	ssyncadd.s32 $0xFFFFC000  }
0x2a: {  	[spmem:s3] =	stream.indirect.scatter [tilespmem:s15], [sflag:$0x2], $0x80, s22, s18, $0xb8;
	[tilespmem:$0xA580] =	vst v63  }
0x2b: {  	_ =	swait.ge [sflag:s16], $0x4000  }
0x2c: {  	[sflag:s16] =	ssyncset.done $0x0  }
0x2d: {  	[sflag:s16] =	ssyncadd.s32 $0xFFFFC000  }
0x2e: {  	[tilespmem:s4], [sflag:$0x2] =	stream.linear.gather [hbm4b:s7+s4], $0x2780, $0x38;
	[tilespmem:$0xA580] =	vst v63  }
0x2f: {  	_ =	swait.ge [sflag:s16], $0x2780  }
0x30: {  	[sflag:s16] =	ssyncset.done $0x0  }
0x31: {  	[sflag:s16] =	ssyncadd.s32 $0xFFFFD880  }
0x32: {  	[tilespmem:s23], [sflag:$0x2] =	stream.linear.gather [hbm4b:s8+s4], $0x2780, $0x38;
	[tilespmem:$0xA580] =	vst v63  }
0x33: {  	_ =	swait.ge [sflag:s16], $0x2780  }
0x34: {  	[sflag:s16] =	ssyncset.done $0x0  }
0x35: {  	[sflag:s16] =	ssyncadd.s32 $0xFFFFD880  }
0x36: {  	s26 =	simm.s32 $0x0;
	[bflag:$0x0] =	sbarrier.arrive $0xFFFF  }
0x37: {  	[tilespmem:s15], [sflag:$0x1] =	stream.indirect.gather [hbm4b:s5+s18], $0x80, s26, s18, $0xb8;
	[tilespmem:$0xA580] =	vst v63  }
0x38: {  	_ =	swait.ge [sflag:s24], $0x4000  }
0x39: {  	[sflag:s24] =	ssyncset.done $0x0  }
0x3a: {  	s31 =	simm.s32 $0x2780;
	[sflag:s24] =	ssyncadd.s32 $0xFFFFC000  }
0x3b: {  	[spmem:s3] =	stream.indirect.scatter.add.f32 [tilespmem:s15], [sflag:$0x2], $0x80, s31, s18, $0xb8;
	[tilespmem:$0xA580] =	vst v63  }
0x3c: {  	_ =	swait.ge [sflag:s16], $0x4000  }
0x3d: {  	s28 =	simm.s32 $0x400;
	s26 =	simm.s32 $0x200;
	[sflag:s16] =	ssyncset.done $0x0  }
.LBB2_2:
0x3e: {  	s29 =	sshra.s32 s26, $0x2  }
0x3f: {  	[sflag:s16] =	ssyncadd.s32 $0xFFFFC000;
	s26 =	smov.u32 s28;
	s30 =	sadd.s32 $0x200, s28  }
0x40: {  	[tilespmem:s15], [sflag:$0x1] =	stream.indirect.gather [hbm4b:s5+s18], $0x80, s29, s18, $0xb8;
	[tilespmem:$0xA580] =	vst v63  }
0x41: {  	p0 =	sne.s32 s28, $0x9C00;
	_ =	swait.ge [sflag:s24], $0x4000  }
.Ltmp0:
0x42: {  	[sflag:s24] =	ssyncset.done $0x0;
	(pc) =	sbr.rel @p0 .LBB2_2-.Ltmp0, $4  }
0x43: {  	s28 =	sadd.s32 $0x2780, s29;
	[sflag:s24] =	ssyncadd.s32 $0xFFFFC000  }
0x44: {  	[spmem:s3] =	stream.indirect.scatter.add.f32 [tilespmem:s15], [sflag:$0x2], $0x80, s28, s18, $0xb8;
	[tilespmem:$0xA580] =	vst v63  }
0x45: {  	_ =	swait.ge [sflag:s16], $0x4000  }
0x46: {  	s28 =	smov.u32 s30;
	[sflag:s16] =	ssyncset.done $0x0  }
0x47: {  	s26 =	sshra.s32 s26, $0x2;
	[sflag:s16] =	ssyncadd.s32 $0xFFFFC000  }
0x48: {  	[tilespmem:s15], [sflag:$0x1] =	stream.indirect.gather [hbm4b:s5+s18], $0x80, s26, s18, $0xb8;
	[tilespmem:$0xA580] =	vst v63  }
0x49: {  	_ =	swait.ge [sflag:s24], $0x4000  }
0x4a: {  	[sflag:s24] =	ssyncset.done $0x0  }
0x4b: {  	s26 =	sadd.s32 $0x2780, s26;
	[sflag:s24] =	ssyncadd.s32 $0xFFFFC000  }
0x4c: {  	[spmem:s3] =	stream.indirect.scatter.add.f32 [tilespmem:s15], [sflag:$0x2], $0x80, s26, s18, $0xb8;
	[tilespmem:$0xA580] =	vst v63  }
0x4d: {  	_ =	swait.ge [sflag:s16], $0x4000  }
0x4e: {  	[sflag:s16] =	ssyncset.done $0x0  }
0x4f: {  	[sflag:s16] =	ssyncadd.s32 $0xFFFFC000  }
0x50: {  	[bflag:$0x0] =	sbarrier.arrive $0xFFFF  }
0x51: {  	[tilespmem:s15], [sflag:$0x1] =	stream.indirect.gather [spmem:s3], $0x80, s17, s18, $0xb8;
	[tilespmem:$0xA580] =	vst v63  }
0x52: {  	_ =	swait.ge [sflag:s24], $0x4000  }
0x53: {  	[sflag:s24] =	ssyncset.done $0x0  }
0x54: {  	[sflag:s24] =	ssyncadd.s32 $0xFFFFC000  }
0x55: {  	[hbm4b:s9+s4] =	stream.linear.scatter [tilespmem:s15], [sflag:$0x2], $0x4000, $0x38;
	[tilespmem:$0xA580] =	vst v63  }
0x56: {  	_ =	swait.ge [sflag:s16], $0x4000  }
0x57: {  	[sflag:s16] =	ssyncset.done $0x0  }
0x58: {  	[sflag:s16] =	ssyncadd.s32 $0xFFFFC000  }
0x59: {  	[tilespmem:s15], [sflag:$0x1] =	stream.indirect.gather [spmem:s3], $0x80, s19, s18, $0xb8;
	[tilespmem:$0xA580] =	vst v63  }
0x5a: {  	_ =	swait.ge [sflag:s24], $0x4000  }
0x5b: {  	[sflag:s24] =	ssyncset.done $0x0  }
0x5c: {  	[sflag:s24] =	ssyncadd.s32 $0xFFFFC000  }
0x5d: {  	[hbm4b:s10+s4] =	stream.linear.scatter [tilespmem:s15], [sflag:$0x2], $0x4000, $0x38;
	[tilespmem:$0xA580] =	vst v63  }
0x5e: {  	_ =	swait.ge [sflag:s16], $0x4000  }
0x5f: {  	[sflag:s16] =	ssyncset.done $0x0  }
0x60: {  	[sflag:s16] =	ssyncadd.s32 $0xFFFFC000  }
0x61: {  	[tilespmem:s15], [sflag:$0x1] =	stream.indirect.gather [spmem:s3], $0x80, s20, s18, $0xb8;
	[tilespmem:$0xA580] =	vst v63  }
0x62: {  	_ =	swait.ge [sflag:s24], $0x4000  }
0x63: {  	[sflag:s24] =	ssyncset.done $0x0  }
0x64: {  	[sflag:s24] =	ssyncadd.s32 $0xFFFFC000  }
0x65: {  	[hbm4b:s11+s4] =	stream.linear.scatter [tilespmem:s15], [sflag:$0x2], $0x4000, $0x38;
	[tilespmem:$0xA580] =	vst v63  }
0x66: {  	_ =	swait.ge [sflag:s16], $0x4000  }
0x67: {  	[sflag:s16] =	ssyncset.done $0x0  }
0x68: {  	[sflag:s16] =	ssyncadd.s32 $0xFFFFC000  }
0x69: {  	[tilespmem:s15], [sflag:$0x1] =	stream.indirect.gather [spmem:s3], $0x80, s21, s18, $0xb8;
	[tilespmem:$0xA580] =	vst v63  }
0x6a: {  	_ =	swait.ge [sflag:s24], $0x4000  }
0x6b: {  	[sflag:s24] =	ssyncset.done $0x0  }
0x6c: {  	[sflag:s24] =	ssyncadd.s32 $0xFFFFC000  }
0x6d: {  	[hbm4b:s12+s4] =	stream.linear.scatter [tilespmem:s15], [sflag:$0x2], $0x4000, $0x38;
	[tilespmem:$0xA580] =	vst v63  }
0x6e: {  	_ =	swait.ge [sflag:s16], $0x4000  }
0x6f: {  	[sflag:s16] =	ssyncset.done $0x0  }
0x70: {  	[sflag:s16] =	ssyncadd.s32 $0xFFFFC000  }
0x71: {  	[tilespmem:s15], [sflag:$0x1] =	stream.indirect.gather [spmem:s3], $0x80, s22, s18, $0xb8;
	[tilespmem:$0xA580] =	vst v63  }
0x72: {  	s25 =	sadd.s32 $0x1, s25;
	_ =	swait.ge [sflag:s24], $0x4000  }
0x73: {  	p0 =	sne.s32 s25, s14;
	[sflag:s24] =	ssyncset.done $0x0  }
.Ltmp1:
0x74: {  	[sflag:s24] =	ssyncadd.s32 $0xFFFFC000;
	(pc) =	sbr.rel @p0 .LBB2_1-.Ltmp1, $4  }
0x75: {  	[hbm4b:s13+s4] =	stream.linear.scatter [tilespmem:s15], [sflag:$0x2], $0x4000, $0x38;
	[tilespmem:$0xA580] =	vst v63  }
0x76: {  	_ =	swait.ge [sflag:s16], $0x4000  }
0x77: {  	[sflag:s16] =	ssyncset.done $0x0  }
0x78: {  	[sflag:s16] =	ssyncadd.s32 $0xFFFFC000  }
0x79: {  	_ =	sfence.sel $0x180000  }
0x7a: {  	[bflag:$0x0] =	sbarrier.arrive $0xFFFF  }
0x7b: {  	p0 =	sne.s32 s0, $0x0;
	_ =	strace $0x9000004D  }
0x7c: {  	s0 =	sadd.s32 @!p0 $0x100000, s1;
	[bflag:$0x2] =	sbarrier.arrive $0xFFFF  }
0x7d: {  	[sflag:s0] =	ssyncadd.tile.s32 @!p0 $0x1;
	_ =	shalt  }
.Lfunc_end2:
_tile_overlayer_lowered:
.L_overlay_start_2:
0x7e: {  	(tag) =	ssettag $0x2  }
0x7f: {  	s0 =	rddreg [dreg:$0x0];
	s2 =	stileid.u32  }
0x80: {  	s1 =	rddreg [dreg:$0x1];
	p0 =	sne.s32 s2, $0x0  }
0x81: {  	s3 =	rddreg [dreg:$0x2];
	[bflag:$0x3] =	sbarrier.arrive $0xFFFF;
	s2 =	simm.s32 @!p0 $0x1C02  }
0x82: {  	[timem:s3], [sflag:s2] =	dma.local @!p0 [hbm:s0], s1  }
0x83: {  	s0 =	simm.s32 @!p0 $0x2  }
0x84: {  	_ =	swait.ge @!p0 [sflag:s0], s1  }
0x85: {  	s1 =	ssub.s32 @!p0 $0x0, s1;
	[sflag:s0] =	ssyncset.done @!p0 $0x0  }
0x86: {  	[sflag:s0] =	ssyncadd.s32 @!p0 s1  }
0x87: {  	[bflag:$0x3] =	sbarrier.arrive $0xFFFF  }
0x88: {  	_ =	shalt  }

// kernel: kernel.8.cloned.1.call-start
scs
__scs_entry_jumppad:
0x0: {  	(pc) =	sbr.rel $0x88, $3  }
0x1: {  	(tag) =	ssettag $0x0;
	lr =	simm.s32 $0x1  }
0x2: {  	[smem:$0x3F9A] =	sst lr;
	_ =	strace $0xD0000000  }
0x3: {  	_ = 	snop  }
0x4: {  	_ = 	snop  }
0x5: {  	_ = 	snop  }
0x6: {  	_ = 	snop  }
0x7: {  	_ = 	snop  }
__scs_overlays_trampoline_lowered:
0x8: {  	[smem:$0x3FA9] =	sst s0  }
0x9: {  	[smem:$0x3FAA] =	sst s1  }
0xa: {  	[smem:$0x3FAB] =	sst s2  }
0xb: {  	[smem:$0x3FAC] =	sst s3  }
0xc: {  	[smem:$0x3FAD] =	sst s4  }
0xd: {  	[smem:$0x3FAE] =	sst s5  }
0xe: {  	[smem:$0x3FAF] =	sst s6  }
0xf: {  	[smem:$0x3FB0] =	sst s7  }
0x10: {  	[smem:$0x3FB1] =	sst s8  }
0x11: {  	[smem:$0x3FB2] =	sst s9;
	s0 =	simm.s32 @!p0 $0x0  }
0x12: {  	s1 =	sld [smem:$0x3F98];
	s0 =	simm.s32 @p0 $0x1  }
0x13: {  	[smem:$0x3FB3] =	sst s0;
	s0 =	simm.s32 @!p1 $0x0  }
0x14: {  	s2 =	sld [smem:$0x3F97];
	s0 =	simm.s32 @p1 $0x1  }
0x15: {  	[smem:$0x3FB4] =	sst s0;
	s0 =	simm.s32 @!p2 $0x0  }
0x16: {  	s3 =	sld [smem:$0x3FDB];
	s0 =	simm.s32 @p2 $0x1  }
0x17: {  	s4 =	simm.s32 $0x1BF5;
	[smem:$0x3FB6] =	sst s0  }
0x18: {  	s0 =	sld [smem:$0x3F99];
	_ =	swait.ge [sflag:s4], $0x0  }
0x19: {  	s7 =	sld [smem:$0x3F9A]  }
0x1a: {  	s8 =	sadd.s32 $0xFFFFE003, lr  }
0x1b: {  	s9 =	sadd.s32 $0xFFFFFEF7, lr;
	s5 =	simm.s32 $0xFFFFFFFF;
	p2 =	slt.u32 s8, $0xFFFFF086  }
0x1c: {  	p1 =	slt.u32 s9, $0xF7A;
	s5 =	simm.s32 @!p2 $0x0  }
0x1d: {  	s5 =	simm.s32 @p1 $0x1;
	p0 =	seq.s32 s7, s2  }
0x1e: {  	s7 =	smul.u32 @!p0 $0xF7A, s2;
	p2 =	seq.s32 @!p0 s5, $0x0  }
0x1f: {  	s9 =	smul.u32 $0xF7A, s1;
	s8 =	simm.s32 @!p0 $0x1BF5;
	p2 =	por !p2, p0  }
0x20: {  	[sflag:s8] =	ssyncset.s32 @!p0 $0xFFFFF086;
	s6 =	sadd.s32 @!p0 s3, s7;
	s7 =	simm.s32 @!p0 $0x108  }
0x21: {  	s3 =	sadd.s32 s3, s9;
	s6 =	sadd.s32 @!p0 $0x88, s6;
	s7 =	simm.s32 @p2 $0x1082  }
0x22: {  	[simem:s7], [sflag:s8] =	dma.local @!p0 [hbm:s6], $0xF7A  }
0x23: {  	s9 =	sor.u32 $0xD0000000, s2;
	s6 =	simm.s32 $0x108;
	_ =	swait.ge @!p0 [sflag:s8], $0x0  }
0x24: {  	s3 =	sadd.s32 $0x88, s3;
	s6 =	simm.s32 @!p1 $0x1082;
	[sflag:s4] =	ssyncset.s32 $0xFFFFF086  }
0x25: {  	[simem:s6], [sflag:s4] =	dma.local [hbm:s3], $0xF7A  }
0x26: {  	[smem:$0x3F9A] =	sst s1;
	(tag) =	ssettag s2;
	_ =	strace s9  }
0x27: {  	s1 =	sld [smem:$0x3FAA]  }
0x28: {  	s2 =	sld [smem:$0x3FAB]  }
0x29: {  	s4 =	sld [smem:$0x3FAD]  }
0x2a: {  	p0 =	seq.s32 s5, $0x0;
	s5 =	sld [smem:$0x3FAE]  }
0x2b: {  	s6 =	sld [smem:$0x3FAF]  }
0x2c: {  	s7 =	sld [smem:$0x3FB0]  }
0x2d: {  	s3 =	simm.s32 $0x108;
	s8 =	sld [smem:$0x3FB1]  }
0x2e: {  	s3 =	simm.s32 @!p0 $0x1082;
	s9 =	sld [smem:$0x3FB2]  }
0x2f: {  	lr =	sadd.s32 s0, s3;
	s0 =	sld [smem:$0x3FA9]  }
0x30: {  	s3 =	sld [smem:$0x3FAC]  }
0x31: {  	[smem:$0x3FB5] =	sst s10  }
0x32: {  	s10 =	sld [smem:$0x3FB3];
	_ =	sdelay $0x3  }
0x33: {  	p0 =	seq.s32 s10, $0x1;
	s10 =	sld [smem:$0x3FB5];
	_ =	sdelay $0x3  }
0x34: {  	[smem:$0x3FB5] =	sst s10  }
0x35: {  	s10 =	sld [smem:$0x3FB4];
	_ =	sdelay $0x3  }
0x36: {  	p1 =	seq.s32 s10, $0x1;
	s10 =	sld [smem:$0x3FB5];
	_ =	sdelay $0x3  }
0x37: {  	[smem:$0x3FB5] =	sst s10  }
0x38: {  	s10 =	sld [smem:$0x3FB6]  }
0x39: {  	_ = 	snop;
	(pc) =	sbr.ind lr, $3  }
0x3a: {  	_ = 	snop  }
0x3b: {  	_ = 	snop  }
0x3c: {  	p2 =	seq.s32 s10, $0x1;
	s10 =	sld [smem:$0x3FB5]  }
0x3d: {  	_ =	shalt  }
0x3e: {  	_ =	shalt  }
0x3f: {  	_ =	shalt  }
0x40: {  	_ =	shalt  }
0x41: {  	_ =	shalt  }
0x42: {  	_ =	shalt  }
0x43: {  	_ =	shalt  }
0x44: {  	_ =	shalt  }
0x45: {  	_ =	shalt  }
0x46: {  	_ =	shalt  }
0x47: {  	_ =	shalt  }
0x48: {  	_ =	shalt  }
0x49: {  	_ =	shalt  }
0x4a: {  	_ =	shalt  }
0x4b: {  	_ =	shalt  }
0x4c: {  	_ =	shalt  }
0x4d: {  	_ =	shalt  }
0x4e: {  	_ =	shalt  }
0x4f: {  	_ =	shalt  }
0x50: {  	_ =	shalt  }
0x51: {  	_ =	shalt  }
0x52: {  	_ =	shalt  }
0x53: {  	_ =	shalt  }
0x54: {  	_ =	shalt  }
0x55: {  	_ =	shalt  }
0x56: {  	_ =	shalt  }
0x57: {  	_ =	shalt  }
0x58: {  	_ =	shalt  }
0x59: {  	_ =	shalt  }
0x5a: {  	_ =	shalt  }
0x5b: {  	_ =	shalt  }
0x5c: {  	_ =	shalt  }
0x5d: {  	_ =	shalt  }
0x5e: {  	_ =	shalt  }
0x5f: {  	_ =	shalt  }
0x60: {  	_ =	shalt  }
0x61: {  	_ =	shalt  }
0x62: {  	_ =	shalt  }
0x63: {  	_ =	shalt  }
0x64: {  	_ =	shalt  }
0x65: {  	_ =	shalt  }
0x66: {  	_ =	shalt  }
0x67: {  	_ =	shalt  }
0x68: {  	_ =	shalt  }
0x69: {  	_ =	shalt  }
0x6a: {  	_ =	shalt  }
0x6b: {  	_ =	shalt  }
0x6c: {  	_ =	shalt  }
0x6d: {  	_ =	shalt  }
0x6e: {  	_ =	shalt  }
0x6f: {  	_ =	shalt  }
0x70: {  	_ =	shalt  }
0x71: {  	_ =	shalt  }
0x72: {  	_ =	shalt  }
0x73: {  	_ =	shalt  }
0x74: {  	_ =	shalt  }
0x75: {  	_ =	shalt  }
0x76: {  	_ =	shalt  }
0x77: {  	_ =	shalt  }
0x78: {  	_ =	shalt  }
0x79: {  	_ =	shalt  }
0x7a: {  	_ =	shalt  }
0x7b: {  	_ =	shalt  }
0x7c: {  	_ =	shalt  }
0x7d: {  	_ =	shalt  }
0x7e: {  	_ =	shalt  }
0x7f: {  	_ =	shalt  }
0x80: {  	_ =	shalt  }
0x81: {  	_ =	shalt  }
0x82: {  	_ =	shalt  }
0x83: {  	_ =	shalt  }
0x84: {  	_ =	shalt  }
0x85: {  	_ =	shalt  }
0x86: {  	_ =	shalt  }
0x87: {  	_ =	shalt  }
.Lfunc_end0:
.L_simem_size_0:
called_computation_lowered:
.L_overlay_start_0:
0x88: {  	s2 =	sld [smem:$0x3FD9]  }
0x89: {  	s3 =	sld [smem:$0x3FFE];
	_ =	sdelay $0x1  }
0x8a: {  	s1 =	srdreg.scid  }
0x8b: {  	s0 =	sand.u32 $0x1, s1  }
0x8c: {  	s17 =	sshll.u32 s0, $0xA;
	s2 =	sadd.s32 s3, s2  }
0x8d: {  	s2 =	sadd.s32 s2, s17  }
0x8e: {  	[smem:$0x3FC1] =	sst s2  }
0x8f: {  	_ = 	snop  }
0x90: {  	s2 =	sld [smem:$0x3FD0];
	(tm) =	ssettm $0x1  }
0x91: {  	s18 =	sld [smem:$0x3FFB];
	_ =	sdelay $0x3  }
0x92: {  	_ =	strace s18  }
0x93: {  	s3 =	sld [smem:$0x3FFC];
	_ =	sdelay $0x3  }
0x94: {  	_ =	strace s3  }
0x95: {  	s3 =	sld [smem:$0x3FFD];
	_ =	sdelay $0x3  }
0x96: {  	_ =	strace s3  }
0x97: {  	_ =	strace $0x8FFFFFFF  }
0x98: {  	s19 =	sld [smem:$0x3FDB];
	_ =	sdelay $0x1  }
0x99: {  	s4 =	simm.s32 $_scs_section_size  }
0x9a: {  	s5 =	simm.s32 $_size__tile_overlayer_lowered;
	s6 =	simm.s32 $_tile_overlayer_lowered  }
0x9b: {  	s22 =	simm.s32 $0x1BFF;
	s21 =	sshll.u32 s6, $0x1;
	s3 =	sadd.s32 s4, s19  }
0x9c: {  	s7 =	simm.s32 $0x0;
	s20 =	sshll.u32 s5, $0x1;
	s5 =	sadd.s32 s21, s3  }
0x9d: {  	[timem:s7], [sflag:s22] =	dma.local [hbm:s5], s20  }
0x9e: {  	_ =	swait.ge [sflag:s22], s20  }
0x9f: {  	s4 =	ssub.s32 $0x0, s20;
	[sflag:s22] =	ssyncset.done $0x0  }
0xa0: {  	[sflag:s22] =	ssyncadd.s32 s4;
	_ =	sdelay $0x1  }
0xa1: {  	s23 =	simm.s32 $0x1B8B  }
0xa2: {  	_ =	swait.ge [sflag:s23], $0x1  }
0xa3: {  	[sflag:s23] =	ssyncset.done $0x0  }
0xa4: {  	s25 =	simm.s32 $0x1B8E;
	s24 =	sld [smem:$0x3FFE];
	[sflag:s23] =	ssyncadd.s32 $0xFFFFFFFF  }
0xa5: {  	s26 =	simm.s32 $execute0_lowered;
	[smem:$0x3FD2] =	sst s25  }
0xa6: {  	s5 =	sshll.u32 s26, $0x1;
	_ =	strace $0x80000046;
	[dreg:$0x1] =	wrdreg $0xFFFFFFFF  }
0xa7: {  	s28 =	simm.s32 $_size_execute0_lowered;
	s3 =	sadd.s32 s3, s5;
	[dreg:$0x0] =	wrdreg $0x0  }
0xa8: {  	s5 =	sshll.u32 s28, $0x1;
	[dreg:$0x2] =	wrdreg s3  }
0xa9: {  	[dreg:$0x3] =	wrdreg s5  }
0xaa: {  	[dreg:$0x4] =	wrdreg $0xC0  }
0xab: {  	_ =	task [dreg:s7], $0x5FFFF  }
0xac: {  	[dreg:$0x1] =	wrdreg $0xFFFFFFFF  }
0xad: {  	[dreg:$0x0] =	wrdreg $0x60  }
0xae: {  	[dreg:$0x2] =	wrdreg s24  }
0xaf: {  	[dreg:$0x3] =	wrdreg s2  }
0xb0: {  	[dreg:$0x4] =	wrdreg $0x9  }
0xb1: {  	_ =	task.clear_ibuf [dreg:s7], $0x5FFFF;
	_ =	strace $0x90000046  }
0xb2: {  	s29 =	simm.s32 $0x9;
	_ =	strace $0x80000048  }
0xb3: {  	_ =	swait.ge [sflag:s29], $0x1  }
0xb4: {  	[sflag:s29] =	ssyncadd.s32 $0xFFFFFFFF  }
0xb5: {  	_ =	strace $0x90000048  }
0xb6: {  	_ =	sfence  }
0xb7: {  	s30 =	sld [smem:$0x0];
	_ =	sdelay $0x2  }
0xb8: {  	s31 =	sshll.u32 s1, $0xD;
	s1 =	sshrl.u32 s1, $0x2  }
0xb9: {  	s3 =	sand.u32 $0x4000, s31;
	s1 =	sadd.s32 s1, s30  }
0xba: {  	s0 =	sor.u32 s3, s0;
	s1 =	sshll.u32 s1, $0x11  }
0xbb: {  	s0 =	sor.u32 s1, s0  }
0xbc: {  	s0 =	sadd.s32 $0x8F2B, s0  }
0xbd: {  	[sflag:s0] =	ssyncadd.remote.s32 $0x1  }
0xbe: {  	_ =	sfence.sel $0xFFFF  }
0xbf: {  	[dreg:$0x0] =	wrdreg $0xFFFFFFFF;
	(pc) =	sbr.abs _section_cstart, $3  }
0xc0: {  	[dreg:$0x1] =	wrdreg $0xFFFFFFFF  }
0xc1: {  	_ =	task.clear_ibuf [dreg:s7], $0x2FFFF;
	_ =	strace $0x9FFFFFFF  }
0xc2: {  	(tm) =	ssettm $0x7FFFFFFF  }
0xc3: {  	_ =	shalt  }
tec
execute0_lowered:
.L_overlay_start_1:
0x0: {  	(tag) =	ssettag $0x1  }
0x1: {  	s4 =	rddreg [dreg:$0x0]  }
0x2: {  	s1 =	srdreg.scid;
	s0 =	stileid.u32  }
0x3: {  	s6 =	rddreg [dreg:$0x1];
	s11 =	simm.s32 $0x7700;
	s12 =	simm.s32 $0x2780  }
0x4: {  	s13 =	simm.s32 $0x80;
	s14 =	simm.s32 $0x400;
	s15 =	simm.s32 $0x0  }
0x5: {  	s3 =	sand.u32 $0x1, s1;
	s2 =	sshll.u32 s0, $0x1;
	s1 =	rddreg [dreg:$0x2]  }
0x6: {  	s7 =	sshrl.u32 s0, $0x2;
	s5 =	sor.u32 s3, s2;
	s2 =	simm.s32 $0x0  }
0x7: {  	s7 =	smul.u32 $0x14000, s7;
	s31 =	ssub.s32 $0x2, s3;
	s3 =	sadd.s32 $0x16400, s4  }
0x8: {  	s8 =	sshll.u32 s5, $0x7;
	[smem:$0x7FF] =	sst s2;
	s5 =	smul.u32 $0x4F0, s5  }
0x9: {  	s9 =	sshrl.u32 s31, $0x1;
	s8 =	sand.u32 $0x380, s8;
	_ =	strace $0x80000047  }
0xa: {  	s7 =	sor.u32 s7, s8;
	s5 =	sadd.s32 s5, s4;
	s8 =	ssub.s32 s31, s9  }
0xb: {  	s9 =	simm.s32 $0x4F00;
	s7 =	sshrl.u32 s7, $0x3;
	s8 =	smax.u32 s8, $0x1  }
0xc: {  	s10 =	sadd.s32 s7, s4;
	s4 =	sadd.s32 $0xC600, s5;
	s5 =	sadd.s32 $0x2800, s5  }
0xd: {  	v0 =	vimm.f32 $1.000000000e+00;
	s6 =	sadd.s32 s6, s7;
	s7 =	sadd.s32 $0x16A00, s10;
	s10 =	simm.s32 $0x1  }
.LBB2_1:
0xe: {  	[tilespmem:s9], [sflag:$0x1] =	stream.linear.gather [hbm4b:s3+s2], $0x2800, $0x38;
	[tilespmem:$0x9F00] =	vst v63  }
0xf: {  	_ =	swait.ge [sflag:s10], $0x2800  }
0x10: {  	[sflag:s10] =	ssyncset.done $0x0  }
0x11: {  	[sflag:s10] =	ssyncadd.s32 $0xFFFFD800  }
0x12: {  	[tilespmem:s11], [sflag:$0x1] =	stream.linear.gather [hbm4b:s3+s2], $0x2800, $0x38;
	[tilespmem:$0x9F00] =	vst v63  }
0x13: {  	_ =	swait.ge [sflag:s10], $0x2800  }
0x14: {  	[sflag:s10] =	ssyncset.done $0x0  }
0x15: {  	[sflag:s10] =	ssyncadd.s32 $0xFFFFD800  }
0x16: {  	[tilespmem:s2], [sflag:$0x1] =	stream.linear.gather [hbm4b:s4+s2], $0x2780, $0x38;
	[tilespmem:$0x9F00] =	vst v63  }
0x17: {  	_ =	swait.ge [sflag:s10], $0x2780  }
0x18: {  	[sflag:s10] =	ssyncset.done $0x0  }
0x19: {  	[sflag:s10] =	ssyncadd.s32 $0xFFFFD880  }
0x1a: {  	[tilespmem:s12], [sflag:$0x1] =	stream.linear.gather [hbm4b:s5+s2], $0x2780, $0x38;
	[tilespmem:$0x9F00] =	vst v63  }
0x1b: {  	_ =	swait.ge [sflag:s10], $0x2780  }
0x1c: {  	[sflag:s10] =	ssyncset.done $0x0  }
0x1d: {  	s17 =	simm.s32 $0x0;
	[sflag:s10] =	ssyncadd.s32 $0xFFFFD880  }
0x1e: {  	s16 =	simm.s32 $0x40;
	v1 =	vld [tilespmem:s17+$0x0]  }
.LBB2_2:
0x1f: {  	p0 =	sne.s32 s16, $0x9DC0;
	v2 =	vld [tilespmem:s17+$0x2780];
	_ =	sdelay $0x4  }
.Ltmp0:
0x20: {  	(pc) =	sbr.rel @p0 .LBB2_2-.Ltmp0, $4  }
0x21: {  	_ = 	snop  }
0x22: {  	[tilespmem:v1+s9+$0x0] =	vst.idx.add.f32.msk $0xffff, v0  }
0x23: {  	s17 =	sshra.s32 s16, $0x2;
	[tilespmem:v2+s11+$0x0] =	vst.idx.add.f32.msk $0xffff, v0  }
0x24: {  	s16 =	sadd.s32 $0x40, s16;
	v1 =	vld [tilespmem:s17+$0x0]  }
0x25: {  	_ = 	snop  }
0x26: {  	v2 =	vld [tilespmem:s17+$0x2780];
	_ =	sdelay $0x6  }
0x27: {  	[tilespmem:v1+s9+$0x0] =	vst.idx.add.f32.msk $0xffff, v0  }
0x28: {  	[tilespmem:v2+s11+$0x0] =	vst.idx.add.f32.msk $0xffff, v0  }
0x29: {  	[hbm4b:s6+s13] =	stream.strided.scatter [tilespmem:s9], [sflag:$0x1], $0x2800, s14, s13, $0x38;
	[tilespmem:$0x9F00] =	vst v63  }
0x2a: {  	s15 =	sadd.s32 $0x1, s15;
	_ =	swait.ge [sflag:s10], $0x2800  }
0x2b: {  	p0 =	sne.s32 s15, s8;
	[sflag:s10] =	ssyncset.done $0x0  }
.Ltmp1:
0x2c: {  	[sflag:s10] =	ssyncadd.s32 $0xFFFFD800;
	(pc) =	sbr.rel @p0 .LBB2_1-.Ltmp1, $4  }
0x2d: {  	[hbm4b:s7+s13] =	stream.strided.scatter [tilespmem:s11], [sflag:$0x1], $0x2800, s14, s13, $0x38;
	[tilespmem:$0x9F00] =	vst v63  }
0x2e: {  	_ =	swait.ge [sflag:s10], $0x2800  }
0x2f: {  	[sflag:s10] =	ssyncset.done $0x0  }
0x30: {  	[sflag:s10] =	ssyncadd.s32 $0xFFFFD800  }
0x31: {  	_ =	sfence.sel $0x180000  }
0x32: {  	[bflag:$0x0] =	sbarrier.arrive $0xFFFF  }
0x33: {  	p0 =	sne.s32 s0, $0x0;
	_ =	strace $0x90000047  }
0x34: {  	s0 =	sadd.s32 @!p0 $0x100000, s1;
	[bflag:$0x2] =	sbarrier.arrive $0xFFFF  }
0x35: {  	[sflag:s0] =	ssyncadd.tile.s32 @!p0 $0x1;
	_ =	shalt  }
.Lfunc_end2:
_tile_overlayer_lowered:
.L_overlay_start_2:
0x36: {  	(tag) =	ssettag $0x2  }
0x37: {  	s0 =	rddreg [dreg:$0x0];
	s2 =	stileid.u32  }
0x38: {  	s1 =	rddreg [dreg:$0x1];
	p0 =	sne.s32 s2, $0x0  }
0x39: {  	s3 =	rddreg [dreg:$0x2];
	[bflag:$0x3] =	sbarrier.arrive $0xFFFF;
	s2 =	simm.s32 @!p0 $0x1C01  }
0x3a: {  	[timem:s3], [sflag:s2] =	dma.local @!p0 [hbm:s0], s1  }
0x3b: {  	s0 =	simm.s32 @!p0 $0x1  }
0x3c: {  	_ =	swait.ge @!p0 [sflag:s0], s1  }
0x3d: {  	s1 =	ssub.s32 @!p0 $0x0, s1;
	[sflag:s0] =	ssyncset.done @!p0 $0x0  }
0x3e: {  	[sflag:s0] =	ssyncadd.s32 @!p0 s1  }
0x3f: {  	[bflag:$0x3] =	sbarrier.arrive $0xFFFF  }
0x40: {  	_ =	shalt  }

</sc_bundles>
